<compile_context>
chip_gen: v7x
topology: tpu7x:2x2x1
jax: 0.10.2.dev20260603
libtpu: 0.0.44.dev20260713+nightly
codegen_flags: <defaults>
</compile_context>

<pallas_src>
import functools
import jax
import jax.numpy as jnp
from jax import lax
from jax.experimental import pallas as pl
from jax.experimental.pallas import tpu as pltpu
from jax.experimental.pallas import tpu_sc as plsc

N_NODES = 10000
N_EDGES = 320000
D_FEAT = 128
N_CLS = 10

NC = 2
NS = 16
NW = NC * NS

K = 80
CHUNKS = N_EDGES // (NW * K)
RPT = N_NODES // NS
DK = K
DCHUNKS = CHUNKS

_sc_mesh = plsc.VectorSubcoreMesh(core_axis_name="c", subcore_axis_name="s")


@functools.partial(
    pl.kernel,
    out_type=jax.ShapeDtypeStruct((NC, N_NODES, 16), jnp.float32),
    mesh=_sc_mesh,
    compiler_params=pltpu.CompilerParams(use_tc_tiling_on_sc=False),
    scratch_types=[
        pltpu.VMEM((DCHUNKS, DK), jnp.int32),
        pltpu.VMEM((DK, 16), jnp.float32),
        pltpu.VMEM_SHARED((N_NODES, 16), jnp.float32),
        pltpu.SemaphoreType.DMA,
    ],
)
def _deg_pass(edges_hbm, ones_hbm, zeros_hbm, out_hbm, dst_i, ones_v, deg_sh,
              dsem):
    cid = lax.axis_index("c")
    sid = lax.axis_index("s")
    r0 = sid * RPT
    wid = sid * NC + cid

    pltpu.sync_copy(edges_hbm.at[1, wid], dst_i)

    @pl.when(cid == 0)
    def _():
        pltpu.sync_copy(ones_hbm, deg_sh.at[pl.ds(r0, RPT)])

    @pl.when(cid != 0)
    def _():
        pltpu.sync_copy(zeros_hbm, deg_sh.at[pl.ds(r0, RPT)])

    pltpu.sync_copy(ones_hbm.at[pl.ds(0, DK)], ones_v)
    plsc.subcore_barrier()

    def body(j, carry):
        pltpu.async_copy(ones_v, deg_sh.at[dst_i.at[j]], dsem, add=True)
        return carry

    lax.fori_loop(0, DCHUNKS, body, 0)

    def drain(j, carry):
        pltpu.make_async_copy(ones_hbm.at[pl.ds(0, DK)], ones_v, dsem).wait()
        return carry

    lax.fori_loop(0, DCHUNKS, drain, 0)
    plsc.subcore_barrier()
    pltpu.sync_copy(deg_sh.at[pl.ds(r0, RPT)], out_hbm.at[cid, pl.ds(r0, RPT)])



@functools.partial(
    pl.kernel,
    out_type=jax.ShapeDtypeStruct((NC, N_NODES, D_FEAT), jnp.float32),
    mesh=_sc_mesh,
    compiler_params=pltpu.CompilerParams(use_tc_tiling_on_sc=False),
    scratch_types=[
        pltpu.VMEM((CHUNKS, K), jnp.int32),
        pltpu.VMEM((CHUNKS, K), jnp.int32),
        pltpu.VMEM((K, D_FEAT), jnp.float32),
        pltpu.VMEM((K, D_FEAT), jnp.float32),
        pltpu.VMEM((K, D_FEAT), jnp.float32),
        pltpu.VMEM_SHARED((N_NODES, D_FEAT), jnp.float32),
        pltpu.SemaphoreType.DMA,
        pltpu.SemaphoreType.DMA,
        pltpu.SemaphoreType.DMA,
    ],
)
def _edge_pass(y_hbm, edges_hbm, zeros_hbm, out_hbm,
               src_i, dst_i, rows0, rows1, rows2, agg_sh, gsem0, gsem1, gsem2):
    cid = lax.axis_index("c")
    sid = lax.axis_index("s")
    r0 = sid * RPT
    wid = sid * NC + cid

    pltpu.sync_copy(edges_hbm.at[0, wid], src_i)
    pltpu.sync_copy(edges_hbm.at[1, wid], dst_i)

    @pl.when(cid == 0)
    def _():
        pltpu.sync_copy(y_hbm.at[pl.ds(r0, RPT)], agg_sh.at[pl.ds(r0, RPT)])

    @pl.when(cid != 0)
    def _():
        pltpu.sync_copy(zeros_hbm, agg_sh.at[pl.ds(r0, RPT)])

    plsc.subcore_barrier()

    bufs = (rows0, rows1, rows2)
    gsems = (gsem0, gsem1, gsem2)

    def fire(c, b):
        pltpu.async_copy(y_hbm.at[src_i.at[c]], bufs[b], gsems[b])

    def wait_scatter(c, b):
        pltpu.make_async_copy(y_hbm.at[pl.ds(0, K)], bufs[b], gsems[b]).wait()
        pltpu.sync_copy(bufs[b], agg_sh.at[dst_i.at[c]], add=True)

    fire(0, 0)
    fire(1, 1)
    fire(2, 2)

    def body(g, carry):
        c0 = 3 * g
        wait_scatter(c0, 0)
        fire(c0 + 3, 0)
        wait_scatter(c0 + 1, 1)
        fire(c0 + 4, 1)
        wait_scatter(c0 + 2, 2)
        fire(c0 + 5, 2)
        return carry

    lax.fori_loop(0, (CHUNKS - 5) // 3, body, 0)
    wait_scatter(CHUNKS - 5, 0)
    fire(CHUNKS - 2, 0)
    wait_scatter(CHUNKS - 4, 1)
    fire(CHUNKS - 1, 1)
    wait_scatter(CHUNKS - 3, 2)
    wait_scatter(CHUNKS - 2, 0)
    wait_scatter(CHUNKS - 1, 1)
    plsc.subcore_barrier()
    pltpu.sync_copy(agg_sh.at[pl.ds(r0, RPT)], out_hbm.at[cid, pl.ds(r0, RPT)])



_R = 5000


def _mm1_body(x_ref, w_ref, deg_ref, y_ref, dinv_ref):
    d = deg_ref[0] + deg_ref[1]
    dinv = lax.rsqrt(d)
    dinv_ref[...] = dinv
    xw = jnp.dot(x_ref[...], w_ref[...], preferred_element_type=jnp.float32)
    y_ref[...] = xw * dinv[:, 0:1]


def _mm2_body(agg_ref, dinv_ref, b_ref, w_ref, y_ref):
    dinv = dinv_ref[...][:, 0:1]
    h = jnp.maximum((agg_ref[0] + agg_ref[1]) * dinv + b_ref[...], 0.0)
    y_ref[...] = jnp.dot(h, w_ref[...], preferred_element_type=jnp.float32) * dinv


def _mm3_body(agg_ref, dinv_ref, b_ref, wl_ref, bl_ref, out_ref):
    dinv = dinv_ref[...][:, 0:1]
    h = jnp.maximum((agg_ref[0] + agg_ref[1]) * dinv + b_ref[...], 0.0)
    logits = jnp.dot(h, wl_ref[...], preferred_element_type=jnp.float32) + bl_ref[...]
    col = lax.broadcasted_iota(jnp.int32, logits.shape, 1)
    valid = col < N_CLS
    masked = jnp.where(valid, logits, -jnp.inf)
    m = jnp.max(masked, axis=1, keepdims=True)
    e = jnp.where(valid, jnp.exp(logits - m), 0.0)
    lse = jnp.log(jnp.sum(e, axis=1, keepdims=True)) + m
    out_ref[...] = (logits - lse)[:, :N_CLS]


def kernel(x, edge_index, W1, b1, W2, b2, Wl, bl):
    edges = edge_index.reshape(2, NW, CHUNKS, K)

    ones16 = jnp.ones((RPT, 16), jnp.float32)
    zeros16 = jnp.zeros((RPT, 16), jnp.float32)
    zerosD = jnp.zeros((RPT, D_FEAT), jnp.float32)

    deg2 = _deg_pass(edges, ones16, zeros16)

    grid = (N_NODES // _R,)
    y1, dinv16 = pl.pallas_call(
        _mm1_body,
        grid=grid,
        in_specs=[
            pl.BlockSpec((_R, D_FEAT), lambda i: (i, 0)),
            pl.BlockSpec((D_FEAT, D_FEAT), lambda i: (0, 0)),
            pl.BlockSpec((NC, _R, 16), lambda i: (0, i, 0)),
        ],
        out_specs=[
            pl.BlockSpec((_R, D_FEAT), lambda i: (i, 0)),
            pl.BlockSpec((_R, 16), lambda i: (i, 0)),
        ],
        out_shape=[
            jax.ShapeDtypeStruct((N_NODES, D_FEAT), jnp.float32),
            jax.ShapeDtypeStruct((N_NODES, 16), jnp.float32),
        ],
    )(x, W1, deg2)

    agg1 = _edge_pass(y1, edges, zerosD)

    b1r = b1.reshape(1, D_FEAT)
    y2 = pl.pallas_call(
        _mm2_body,
        grid=grid,
        in_specs=[
            pl.BlockSpec((NC, _R, D_FEAT), lambda i: (0, i, 0)),
            pl.BlockSpec((_R, 16), lambda i: (i, 0)),
            pl.BlockSpec((1, D_FEAT), lambda i: (0, 0)),
            pl.BlockSpec((D_FEAT, D_FEAT), lambda i: (0, 0)),
        ],
        out_specs=pl.BlockSpec((_R, D_FEAT), lambda i: (i, 0)),
        out_shape=jax.ShapeDtypeStruct((N_NODES, D_FEAT), jnp.float32),
    )(agg1, dinv16, b1r, W2)

    agg2 = _edge_pass(y2, edges, zerosD)

    b2r = b2.reshape(1, D_FEAT)
    Wlp = jnp.zeros((D_FEAT, D_FEAT), jnp.float32).at[:, :N_CLS].set(Wl)
    blp = jnp.zeros((1, D_FEAT), jnp.float32).at[0, :N_CLS].set(bl)
    outp = pl.pallas_call(
        _mm3_body,
        grid=grid,
        in_specs=[
            pl.BlockSpec((NC, _R, D_FEAT), lambda i: (0, i, 0)),
            pl.BlockSpec((_R, 16), lambda i: (i, 0)),
            pl.BlockSpec((1, D_FEAT), lambda i: (0, 0)),
            pl.BlockSpec((D_FEAT, D_FEAT), lambda i: (0, 0)),
            pl.BlockSpec((1, D_FEAT), lambda i: (0, 0)),
        ],
        out_specs=pl.BlockSpec((_R, N_CLS), lambda i: (i, 0)),
        out_shape=jax.ShapeDtypeStruct((N_NODES, N_CLS), jnp.float32),
    )(agg2, dinv16, b2r, Wlp, blp)

    return outp

# --- scband reference (transcript-rebuilt; emitter-appended) ---
"""Pipeline reference for scband-gcn-custom-7722351198605 (READ-ONLY COPY).

The authoritative reference and input builder live on the scoring server;
editing this copy changes nothing except your own understanding.
"""

import jax, jax.numpy as jnp
import numpy as np

N = 10000
E = 320000
D = 128
C = 10


def gcn_conv(x, src, dst, W, b):
    n = x.shape[0]
    loop = jnp.arange(n, dtype=src.dtype)
    s = jnp.concatenate([src, loop])
    d = jnp.concatenate([dst, loop])
    deg = jnp.zeros((n,), x.dtype).at[d].add(1.0)
    dinv = jnp.where(deg > 0, jax.lax.rsqrt(deg), 0.0)
    xw = x @ W
    coef = dinv[s] * dinv[d]
    out = jnp.zeros_like(xw).at[d].add(xw[s] * coef[:, None])
    return out + b


def setup_inputs(seed: int = 0) -> dict:
    key = jax.random.key(seed)
    ks = jax.random.split(key, 8)
    x = jax.random.normal(ks[0], (N, D), dtype=jnp.float32)
    edge_index = jax.random.randint(ks[1], (2, E), 0, N, dtype=jnp.int32)
    s = 1.0 / np.sqrt(D)
    W1 = jax.random.normal(ks[2], (D, D), dtype=jnp.float32) * s
    b1 = jnp.zeros((D,), dtype=jnp.float32)
    W2 = jax.random.normal(ks[3], (D, D), dtype=jnp.float32) * s
    b2 = jnp.zeros((D,), dtype=jnp.float32)
    Wl = jax.random.normal(ks[4], (D, C), dtype=jnp.float32) * s
    bl = jnp.zeros((C,), dtype=jnp.float32)
    return {"x": x, "edge_index": edge_index, "W1": W1, "b1": b1, "W2": W2, "b2": b2, "Wl": Wl, "bl": bl}


def reference(x, edge_index, W1, b1, W2, b2, Wl, bl):
    src, dst = edge_index[0], edge_index[1]
    h = jax.nn.relu(gcn_conv(x, src, dst, W1, b1))
    # dropout is identity in eval mode
    h = jax.nn.relu(gcn_conv(h, src, dst, W2, b2))
    logits = h @ Wl + bl
    return jax.nn.log_softmax(logits, axis=1)

if __name__ == "__main__":
    import jax
    _d = setup_inputs()
    print(jax.jit(kernel)(*tuple(_d.values())))

</pallas_src>

<mosaic_0001>
#map = affine_map<(d0, d1) -> (0, 0)>
#map1 = affine_map<(d0, d1) -> (0, 0, 0, 0)>
#map2 = affine_map<(d0, d1) -> (0, 0, 0)>
module attributes {stable_mosaic.version = 14 : i64} {
  func.func @_edge_pass(%arg0: i32, %arg1: i32, %arg2: memref<10000x128xf32, #tpu.memory_space<hbm>>, %arg3: memref<2x32x125x80xi32, #tpu.memory_space<hbm>>, %arg4: memref<625x128xf32, #tpu.memory_space<hbm>>, %arg5: memref<2x10000x128xf32, #tpu.memory_space<hbm>>, %arg6: memref<125x80xi32, #tpu.memory_space<vmem>>, %arg7: memref<125x80xi32, #tpu.memory_space<vmem>>, %arg8: memref<80x128xf32, #tpu.memory_space<vmem>>, %arg9: memref<80x128xf32, #tpu.memory_space<vmem>>, %arg10: memref<80x128xf32, #tpu.memory_space<vmem>>, %arg11: memref<10000x128xf32, #tpu.memory_space<vmem_shared>>, %arg12: memref<!tpu.dma_semaphore, #tpu.memory_space<semaphore_mem>>, %arg13: memref<!tpu.dma_semaphore, #tpu.memory_space<semaphore_mem>>, %arg14: memref<!tpu.dma_semaphore, #tpu.memory_space<semaphore_mem>>) attributes {dimension_semantics = [#tpu.dimension_semantics<core_parallel>, #tpu.dimension_semantics<subcore_parallel>], iteration_bounds = array<i64: 2, 16>, scalar_prefetch = 0 : i64, scratch_operands = 9 : i64, tpu.core_type = #tpu.core_type<sc_vector_subcore>, window_params = [{transform_indices = #map}, {transform_indices = #map1}, {transform_indices = #map}, {transform_indices = #map2}]} {
    %mul3A = arith.constant 625 : i32
    %mul3A_0 = arith.muli %arg1, %mul3A : i32
    %mul3A_1 = arith.constant 2 : i32
    %mul3A_2 = arith.muli %arg1, %mul3A_1 : i32
    %add3A = arith.addi %mul3A_2, %arg0 : i32
    %run_scoped3A = arith.constant 0 : i32
    "tpu.region"() ({
      %run_scoped3A_84 = tpu.sem_alloc : memref<!tpu.dma_semaphore, #tpu.memory_space<semaphore_mem>>
      %dma_start3A_85 = arith.constant 0 : i32
      %dma_start3A_86 = arith.constant 0 : i32
      %dma_start3A_87 = tpu.memref_slice %arg3[%run_scoped3A, %add3A, %dma_start3A_85, %dma_start3A_86] : memref<2x32x125x80xi32, #tpu.memory_space<hbm>> -> memref<1x1x125x80xi32, #tpu.memory_space<hbm>>
      %dma_start3A_88 = tpu.memref_squeeze %dma_start3A_87 : memref<1x1x125x80xi32, #tpu.memory_space<hbm>> -> memref<125x80xi32, #tpu.memory_space<hbm>>
      %dma_start3A_89 = arith.constant 0 : i32
      %dma_start3A_90 = arith.constant 0 : i32
      %dma_start3A_91 = tpu.memref_slice %arg3[%run_scoped3A, %add3A, %dma_start3A_89, %dma_start3A_90] : memref<2x32x125x80xi32, #tpu.memory_space<hbm>> -> memref<1x1x125x80xi32, #tpu.memory_space<hbm>>
      %dma_start3A_92 = tpu.memref_squeeze %dma_start3A_91 : memref<1x1x125x80xi32, #tpu.memory_space<hbm>> -> memref<125x80xi32, #tpu.memory_space<hbm>>
      tpu.enqueue_dma source(%dma_start3A_92 : memref<125x80xi32, #tpu.memory_space<hbm>>) target(%arg6 : memref<125x80xi32, #tpu.memory_space<vmem>>) target_semaphore(%run_scoped3A_84 : memref<!tpu.dma_semaphore, #tpu.memory_space<semaphore_mem>>)
      %dma_wait3A_93 = arith.constant 0 : i32
      %dma_wait3A_94 = arith.constant 0 : i32
      %dma_wait3A_95 = tpu.memref_slice %arg3[%run_scoped3A, %add3A, %dma_wait3A_93, %dma_wait3A_94] : memref<2x32x125x80xi32, #tpu.memory_space<hbm>> -> memref<1x1x125x80xi32, #tpu.memory_space<hbm>>
      %dma_wait3A_96 = tpu.memref_squeeze %dma_wait3A_95 : memref<1x1x125x80xi32, #tpu.memory_space<hbm>> -> memref<125x80xi32, #tpu.memory_space<hbm>>
      %dma_wait3A_97 = arith.constant 0 : i32
      %dma_wait3A_98 = arith.constant 0 : i32
      %dma_wait3A_99 = tpu.memref_slice %arg3[%run_scoped3A, %add3A, %dma_wait3A_97, %dma_wait3A_98] : memref<2x32x125x80xi32, #tpu.memory_space<hbm>> -> memref<1x1x125x80xi32, #tpu.memory_space<hbm>>
      %dma_wait3A_100 = tpu.memref_squeeze %dma_wait3A_99 : memref<1x1x125x80xi32, #tpu.memory_space<hbm>> -> memref<125x80xi32, #tpu.memory_space<hbm>>
      tpu.wait_dma2 semaphore(%run_scoped3A_84 : memref<!tpu.dma_semaphore, #tpu.memory_space<semaphore_mem>>) src(%dma_wait3A_100 : memref<125x80xi32, #tpu.memory_space<hbm>>) dst(%arg6 : memref<125x80xi32, #tpu.memory_space<vmem>>)
      tpu.yield
    }) : () -> ()
    %run_scoped3A_3 = arith.constant 1 : i32
    "tpu.region"() ({
      %run_scoped3A_84 = tpu.sem_alloc : memref<!tpu.dma_semaphore, #tpu.memory_space<semaphore_mem>>
      %dma_start3A_85 = arith.constant 0 : i32
      %dma_start3A_86 = arith.constant 0 : i32
      %dma_start3A_87 = tpu.memref_slice %arg3[%run_scoped3A_3, %add3A, %dma_start3A_85, %dma_start3A_86] : memref<2x32x125x80xi32, #tpu.memory_space<hbm>> -> memref<1x1x125x80xi32, #tpu.memory_space<hbm>>
      %dma_start3A_88 = tpu.memref_squeeze %dma_start3A_87 : memref<1x1x125x80xi32, #tpu.memory_space<hbm>> -> memref<125x80xi32, #tpu.memory_space<hbm>>
      %dma_start3A_89 = arith.constant 0 : i32
      %dma_start3A_90 = arith.constant 0 : i32
      %dma_start3A_91 = tpu.memref_slice %arg3[%run_scoped3A_3, %add3A, %dma_start3A_89, %dma_start3A_90] : memref<2x32x125x80xi32, #tpu.memory_space<hbm>> -> memref<1x1x125x80xi32, #tpu.memory_space<hbm>>
      %dma_start3A_92 = tpu.memref_squeeze %dma_start3A_91 : memref<1x1x125x80xi32, #tpu.memory_space<hbm>> -> memref<125x80xi32, #tpu.memory_space<hbm>>
      tpu.enqueue_dma source(%dma_start3A_92 : memref<125x80xi32, #tpu.memory_space<hbm>>) target(%arg7 : memref<125x80xi32, #tpu.memory_space<vmem>>) target_semaphore(%run_scoped3A_84 : memref<!tpu.dma_semaphore, #tpu.memory_space<semaphore_mem>>)
      %dma_wait3A_93 = arith.constant 0 : i32
      %dma_wait3A_94 = arith.constant 0 : i32
      %dma_wait3A_95 = tpu.memref_slice %arg3[%run_scoped3A_3, %add3A, %dma_wait3A_93, %dma_wait3A_94] : memref<2x32x125x80xi32, #tpu.memory_space<hbm>> -> memref<1x1x125x80xi32, #tpu.memory_space<hbm>>
      %dma_wait3A_96 = tpu.memref_squeeze %dma_wait3A_95 : memref<1x1x125x80xi32, #tpu.memory_space<hbm>> -> memref<125x80xi32, #tpu.memory_space<hbm>>
      %dma_wait3A_97 = arith.constant 0 : i32
      %dma_wait3A_98 = arith.constant 0 : i32
      %dma_wait3A_99 = tpu.memref_slice %arg3[%run_scoped3A_3, %add3A, %dma_wait3A_97, %dma_wait3A_98] : memref<2x32x125x80xi32, #tpu.memory_space<hbm>> -> memref<1x1x125x80xi32, #tpu.memory_space<hbm>>
      %dma_wait3A_100 = tpu.memref_squeeze %dma_wait3A_99 : memref<1x1x125x80xi32, #tpu.memory_space<hbm>> -> memref<125x80xi32, #tpu.memory_space<hbm>>
      tpu.wait_dma2 semaphore(%run_scoped3A_84 : memref<!tpu.dma_semaphore, #tpu.memory_space<semaphore_mem>>) src(%dma_wait3A_100 : memref<125x80xi32, #tpu.memory_space<hbm>>) dst(%arg7 : memref<125x80xi32, #tpu.memory_space<vmem>>)
      tpu.yield
    }) : () -> ()
    %eq3A = arith.constant 0 : i32
    %eq3A_4 = arith.cmpi eq, %arg0, %eq3A : i32
    %convert_element_type3A = arith.extui %eq3A_4 : i1 to i32
    %cond3A = arith.constant 0 : i32
    %cond3A_5 = arith.cmpi ne, %convert_element_type3A, %cond3A : i32
    scf.if %cond3A_5 {
      "tpu.region"() ({
        %run_scoped3A_84 = tpu.sem_alloc : memref<!tpu.dma_semaphore, #tpu.memory_space<semaphore_mem>>
        %dma_start3A_85 = arith.constant 0 : i32
        %dma_start3A_86 = tpu.memref_slice %arg11[%mul3A_0, %dma_start3A_85] : memref<10000x128xf32, #tpu.memory_space<vmem_shared>> -> memref<625x128xf32, #tpu.memory_space<vmem_shared>>
        %dma_start3A_87 = arith.constant 0 : i32
        %dma_start3A_88 = tpu.memref_slice %arg2[%mul3A_0, %dma_start3A_87] : memref<10000x128xf32, #tpu.memory_space<hbm>> -> memref<625x128xf32, #tpu.memory_space<hbm>>
        tpu.enqueue_dma source(%dma_start3A_88 : memref<625x128xf32, #tpu.memory_space<hbm>>) target(%dma_start3A_86 : memref<625x128xf32, #tpu.memory_space<vmem_shared>>) target_semaphore(%run_scoped3A_84 : memref<!tpu.dma_semaphore, #tpu.memory_space<semaphore_mem>>)
        %dma_wait3A_89 = arith.constant 0 : i32
        %dma_wait3A_90 = tpu.memref_slice %arg11[%mul3A_0, %dma_wait3A_89] : memref<10000x128xf32, #tpu.memory_space<vmem_shared>> -> memref<625x128xf32, #tpu.memory_space<vmem_shared>>
        %dma_wait3A_91 = arith.constant 0 : i32
        %dma_wait3A_92 = tpu.memref_slice %arg2[%mul3A_0, %dma_wait3A_91] : memref<10000x128xf32, #tpu.memory_space<hbm>> -> memref<625x128xf32, #tpu.memory_space<hbm>>
        tpu.wait_dma2 semaphore(%run_scoped3A_84 : memref<!tpu.dma_semaphore, #tpu.memory_space<semaphore_mem>>) src(%dma_wait3A_92 : memref<625x128xf32, #tpu.memory_space<hbm>>) dst(%dma_wait3A_90 : memref<625x128xf32, #tpu.memory_space<vmem_shared>>)
        tpu.yield
      }) : () -> ()
    } else {
    }
    %ne3A = arith.constant 0 : i32
    %ne3A_6 = arith.cmpi ne, %arg0, %ne3A : i32
    %convert_element_type3A_7 = arith.extui %ne3A_6 : i1 to i32
    %cond3A_8 = arith.constant 0 : i32
    %cond3A_9 = arith.cmpi ne, %convert_element_type3A_7, %cond3A_8 : i32
    scf.if %cond3A_9 {
      "tpu.region"() ({
        %run_scoped3A_84 = tpu.sem_alloc : memref<!tpu.dma_semaphore, #tpu.memory_space<semaphore_mem>>
        %dma_start3A_85 = arith.constant 0 : i32
        %dma_start3A_86 = tpu.memref_slice %arg11[%mul3A_0, %dma_start3A_85] : memref<10000x128xf32, #tpu.memory_space<vmem_shared>> -> memref<625x128xf32, #tpu.memory_space<vmem_shared>>
        tpu.enqueue_dma source(%arg4 : memref<625x128xf32, #tpu.memory_space<hbm>>) target(%dma_start3A_86 : memref<625x128xf32, #tpu.memory_space<vmem_shared>>) target_semaphore(%run_scoped3A_84 : memref<!tpu.dma_semaphore, #tpu.memory_space<semaphore_mem>>)
        %dma_wait3A_87 = arith.constant 0 : i32
        %dma_wait3A_88 = tpu.memref_slice %arg11[%mul3A_0, %dma_wait3A_87] : memref<10000x128xf32, #tpu.memory_space<vmem_shared>> -> memref<625x128xf32, #tpu.memory_space<vmem_shared>>
        tpu.wait_dma2 semaphore(%run_scoped3A_84 : memref<!tpu.dma_semaphore, #tpu.memory_space<semaphore_mem>>) src(%arg4 : memref<625x128xf32, #tpu.memory_space<hbm>>) dst(%dma_wait3A_88 : memref<625x128xf32, #tpu.memory_space<vmem_shared>>)
        tpu.yield
      }) : () -> ()
    } else {
    }
    %barrier3A = arith.constant 0 : index
    tpu.barrier barrier_id(%barrier3A)
    %dma_start3A = arith.constant 0 : i32
    %dma_start3A_10 = arith.constant 0 : i32
    %dma_start3A_11 = tpu.memref_slice %arg6[%dma_start3A, %dma_start3A_10] : memref<125x80xi32, #tpu.memory_space<vmem>> -> memref<1x80xi32, #tpu.memory_space<vmem>>
    %dma_start3A_12 = tpu.memref_squeeze %dma_start3A_11 : memref<1x80xi32, #tpu.memory_space<vmem>> -> memref<80xi32, #tpu.memory_space<vmem>>
    %dma_start3A_13 = arith.constant 0 : i32
    %dma_start3A_14 = arith.constant 0 : i32
    %dma_start3A_15 = tpu.memref_slice %arg2[%dma_start3A_13, %dma_start3A_14] : memref<10000x128xf32, #tpu.memory_space<hbm>> -> memref<10000x128xf32, #tpu.memory_space<hbm>>
    tpu.enqueue_indirect_dma source(%dma_start3A_15 : memref<10000x128xf32, #tpu.memory_space<hbm>>) target(%arg8 : memref<80x128xf32, #tpu.memory_space<vmem>>) offsets(%dma_start3A_12 : memref<80xi32, #tpu.memory_space<vmem>>) semaphore(%arg12 : memref<!tpu.dma_semaphore, #tpu.memory_space<semaphore_mem>>)
    %dma_start3A_16 = arith.constant 1 : i32
    %dma_start3A_17 = arith.constant 0 : i32
    %dma_start3A_18 = tpu.memref_slice %arg6[%dma_start3A_16, %dma_start3A_17] : memref<125x80xi32, #tpu.memory_space<vmem>> -> memref<1x80xi32, #tpu.memory_space<vmem>>
    %dma_start3A_19 = tpu.memref_squeeze %dma_start3A_18 : memref<1x80xi32, #tpu.memory_space<vmem>> -> memref<80xi32, #tpu.memory_space<vmem>>
    %dma_start3A_20 = arith.constant 0 : i32
    %dma_start3A_21 = arith.constant 0 : i32
    %dma_start3A_22 = tpu.memref_slice %arg2[%dma_start3A_20, %dma_start3A_21] : memref<10000x128xf32, #tpu.memory_space<hbm>> -> memref<10000x128xf32, #tpu.memory_space<hbm>>
    tpu.enqueue_indirect_dma source(%dma_start3A_22 : memref<10000x128xf32, #tpu.memory_space<hbm>>) target(%arg9 : memref<80x128xf32, #tpu.memory_space<vmem>>) offsets(%dma_start3A_19 : memref<80xi32, #tpu.memory_space<vmem>>) semaphore(%arg13 : memref<!tpu.dma_semaphore, #tpu.memory_space<semaphore_mem>>)
    %dma_start3A_23 = arith.constant 2 : i32
    %dma_start3A_24 = arith.constant 0 : i32
    %dma_start3A_25 = tpu.memref_slice %arg6[%dma_start3A_23, %dma_start3A_24] : memref<125x80xi32, #tpu.memory_space<vmem>> -> memref<1x80xi32, #tpu.memory_space<vmem>>
    %dma_start3A_26 = tpu.memref_squeeze %dma_start3A_25 : memref<1x80xi32, #tpu.memory_space<vmem>> -> memref<80xi32, #tpu.memory_space<vmem>>
    %dma_start3A_27 = arith.constant 0 : i32
    %dma_start3A_28 = arith.constant 0 : i32
    %dma_start3A_29 = tpu.memref_slice %arg2[%dma_start3A_27, %dma_start3A_28] : memref<10000x128xf32, #tpu.memory_space<hbm>> -> memref<10000x128xf32, #tpu.memory_space<hbm>>
    tpu.enqueue_indirect_dma source(%dma_start3A_29 : memref<10000x128xf32, #tpu.memory_space<hbm>>) target(%arg10 : memref<80x128xf32, #tpu.memory_space<vmem>>) offsets(%dma_start3A_26 : memref<80xi32, #tpu.memory_space<vmem>>) semaphore(%arg14 : memref<!tpu.dma_semaphore, #tpu.memory_space<semaphore_mem>>)
    %scan3A = arith.constant 0 : i32
    %scan3A_30 = arith.constant 0 : i32
    %scan3A_31 = arith.constant 40 : i32
    %scan3A_32 = arith.addi %scan3A_30, %scan3A_31 : i32
    %scan3A_33 = arith.constant 1 : i32
    scf.for %scan3A_84 = %scan3A_30 to %scan3A_32 step %scan3A_33  : i32 {
      %mul3A_85 = arith.constant 3 : i32
      %mul3A_86 = arith.muli %mul3A_85, %scan3A_84 : i32
      %dma_wait3A_87 = arith.constant 0 : i32
      %dma_wait3A_88 = arith.constant 0 : i32
      %dma_wait3A_89 = tpu.memref_slice %arg2[%dma_wait3A_87, %dma_wait3A_88] : memref<10000x128xf32, #tpu.memory_space<hbm>> -> memref<80x128xf32, #tpu.memory_space<hbm>>
      %dma_wait3A_90 = arith.constant 0 : i32
      %dma_wait3A_91 = arith.constant 0 : i32
      %dma_wait3A_92 = tpu.memref_slice %arg2[%dma_wait3A_90, %dma_wait3A_91] : memref<10000x128xf32, #tpu.memory_space<hbm>> -> memref<80x128xf32, #tpu.memory_space<hbm>>
      tpu.wait_dma2 semaphore(%arg12 : memref<!tpu.dma_semaphore, #tpu.memory_space<semaphore_mem>>) src(%dma_wait3A_92 : memref<80x128xf32, #tpu.memory_space<hbm>>) dst(%arg8 : memref<80x128xf32, #tpu.memory_space<vmem>>)
      "tpu.region"() ({
        %run_scoped3A_133 = tpu.sem_alloc : memref<!tpu.dma_semaphore, #tpu.memory_space<semaphore_mem>>
        %dma_start3A_134 = arith.constant 0 : i32
        %dma_start3A_135 = tpu.memref_slice %arg7[%mul3A_86, %dma_start3A_134] : memref<125x80xi32, #tpu.memory_space<vmem>> -> memref<1x80xi32, #tpu.memory_space<vmem>>
        %dma_start3A_136 = tpu.memref_squeeze %dma_start3A_135 : memref<1x80xi32, #tpu.memory_space<vmem>> -> memref<80xi32, #tpu.memory_space<vmem>>
        %dma_start3A_137 = arith.constant 0 : i32
        %dma_start3A_138 = arith.constant 0 : i32
        %dma_start3A_139 = tpu.memref_slice %arg11[%dma_start3A_137, %dma_start3A_138] : memref<10000x128xf32, #tpu.memory_space<vmem_shared>> -> memref<10000x128xf32, #tpu.memory_space<vmem_shared>>
        tpu.enqueue_indirect_dma source(%arg8 : memref<80x128xf32, #tpu.memory_space<vmem>>) target(%dma_start3A_139 : memref<10000x128xf32, #tpu.memory_space<vmem_shared>>) offsets(%dma_start3A_136 : memref<80xi32, #tpu.memory_space<vmem>>) semaphore(%run_scoped3A_133 : memref<!tpu.dma_semaphore, #tpu.memory_space<semaphore_mem>>) {add = true}
        %dma_wait3A_140 = arith.constant 0 : i32
        %dma_wait3A_141 = tpu.memref_slice %arg7[%mul3A_86, %dma_wait3A_140] : memref<125x80xi32, #tpu.memory_space<vmem>> -> memref<1x80xi32, #tpu.memory_space<vmem>>
        %dma_wait3A_142 = tpu.memref_squeeze %dma_wait3A_141 : memref<1x80xi32, #tpu.memory_space<vmem>> -> memref<80xi32, #tpu.memory_space<vmem>>
        %dma_wait3A_143 = arith.constant 0 : i32
        %dma_wait3A_144 = arith.constant 0 : i32
        %dma_wait3A_145 = tpu.memref_slice %arg11[%dma_wait3A_143, %dma_wait3A_144] : memref<10000x128xf32, #tpu.memory_space<vmem_shared>> -> memref<10000x128xf32, #tpu.memory_space<vmem_shared>>
        tpu.wait_indirect_dma semaphore(%run_scoped3A_133 : memref<!tpu.dma_semaphore, #tpu.memory_space<semaphore_mem>>) src(%arg8 : memref<80x128xf32, #tpu.memory_space<vmem>>) dst(%dma_wait3A_145 : memref<10000x128xf32, #tpu.memory_space<vmem_shared>>)
        tpu.yield
      }) : () -> ()
      %add3A_93 = arith.constant 3 : i32
      %add3A_94 = arith.addi %mul3A_86, %add3A_93 : i32
      %dma_start3A_95 = arith.constant 0 : i32
      %dma_start3A_96 = tpu.memref_slice %arg6[%add3A_94, %dma_start3A_95] : memref<125x80xi32, #tpu.memory_space<vmem>> -> memref<1x80xi32, #tpu.memory_space<vmem>>
      %dma_start3A_97 = tpu.memref_squeeze %dma_start3A_96 : memref<1x80xi32, #tpu.memory_space<vmem>> -> memref<80xi32, #tpu.memory_space<vmem>>
      %dma_start3A_98 = arith.constant 0 : i32
      %dma_start3A_99 = arith.constant 0 : i32
      %dma_start3A_100 = tpu.memref_slice %arg2[%dma_start3A_98, %dma_start3A_99] : memref<10000x128xf32, #tpu.memory_space<hbm>> -> memref<10000x128xf32, #tpu.memory_space<hbm>>
      tpu.enqueue_indirect_dma source(%dma_start3A_100 : memref<10000x128xf32, #tpu.memory_space<hbm>>) target(%arg8 : memref<80x128xf32, #tpu.memory_space<vmem>>) offsets(%dma_start3A_97 : memref<80xi32, #tpu.memory_space<vmem>>) semaphore(%arg12 : memref<!tpu.dma_semaphore, #tpu.memory_space<semaphore_mem>>)
      %add3A_101 = arith.constant 1 : i32
      %add3A_102 = arith.addi %mul3A_86, %add3A_101 : i32
      %dma_wait3A_103 = arith.constant 0 : i32
      %dma_wait3A_104 = arith.constant 0 : i32
      %dma_wait3A_105 = tpu.memref_slice %arg2[%dma_wait3A_103, %dma_wait3A_104] : memref<10000x128xf32, #tpu.memory_space<hbm>> -> memref<80x128xf32, #tpu.memory_space<hbm>>
      %dma_wait3A_106 = arith.constant 0 : i32
      %dma_wait3A_107 = arith.constant 0 : i32
      %dma_wait3A_108 = tpu.memref_slice %arg2[%dma_wait3A_106, %dma_wait3A_107] : memref<10000x128xf32, #tpu.memory_space<hbm>> -> memref<80x128xf32, #tpu.memory_space<hbm>>
      tpu.wait_dma2 semaphore(%arg13 : memref<!tpu.dma_semaphore, #tpu.memory_space<semaphore_mem>>) src(%dma_wait3A_108 : memref<80x128xf32, #tpu.memory_space<hbm>>) dst(%arg9 : memref<80x128xf32, #tpu.memory_space<vmem>>)
      "tpu.region"() ({
        %run_scoped3A_133 = tpu.sem_alloc : memref<!tpu.dma_semaphore, #tpu.memory_space<semaphore_mem>>
        %dma_start3A_134 = arith.constant 0 : i32
        %dma_start3A_135 = tpu.memref_slice %arg7[%add3A_102, %dma_start3A_134] : memref<125x80xi32, #tpu.memory_space<vmem>> -> memref<1x80xi32, #tpu.memory_space<vmem>>
        %dma_start3A_136 = tpu.memref_squeeze %dma_start3A_135 : memref<1x80xi32, #tpu.memory_space<vmem>> -> memref<80xi32, #tpu.memory_space<vmem>>
        %dma_start3A_137 = arith.constant 0 : i32
        %dma_start3A_138 = arith.constant 0 : i32
        %dma_start3A_139 = tpu.memref_slice %arg11[%dma_start3A_137, %dma_start3A_138] : memref<10000x128xf32, #tpu.memory_space<vmem_shared>> -> memref<10000x128xf32, #tpu.memory_space<vmem_shared>>
        tpu.enqueue_indirect_dma source(%arg9 : memref<80x128xf32, #tpu.memory_space<vmem>>) target(%dma_start3A_139 : memref<10000x128xf32, #tpu.memory_space<vmem_shared>>) offsets(%dma_start3A_136 : memref<80xi32, #tpu.memory_space<vmem>>) semaphore(%run_scoped3A_133 : memref<!tpu.dma_semaphore, #tpu.memory_space<semaphore_mem>>) {add = true}
        %dma_wait3A_140 = arith.constant 0 : i32
        %dma_wait3A_141 = tpu.memref_slice %arg7[%add3A_102, %dma_wait3A_140] : memref<125x80xi32, #tpu.memory_space<vmem>> -> memref<1x80xi32, #tpu.memory_space<vmem>>
        %dma_wait3A_142 = tpu.memref_squeeze %dma_wait3A_141 : memref<1x80xi32, #tpu.memory_space<vmem>> -> memref<80xi32, #tpu.memory_space<vmem>>
        %dma_wait3A_143 = arith.constant 0 : i32
        %dma_wait3A_144 = arith.constant 0 : i32
        %dma_wait3A_145 = tpu.memref_slice %arg11[%dma_wait3A_143, %dma_wait3A_144] : memref<10000x128xf32, #tpu.memory_space<vmem_shared>> -> memref<10000x128xf32, #tpu.memory_space<vmem_shared>>
        tpu.wait_indirect_dma semaphore(%run_scoped3A_133 : memref<!tpu.dma_semaphore, #tpu.memory_space<semaphore_mem>>) src(%arg9 : memref<80x128xf32, #tpu.memory_space<vmem>>) dst(%dma_wait3A_145 : memref<10000x128xf32, #tpu.memory_space<vmem_shared>>)
        tpu.yield
      }) : () -> ()
      %add3A_109 = arith.constant 4 : i32
      %add3A_110 = arith.addi %mul3A_86, %add3A_109 : i32
      %dma_start3A_111 = arith.constant 0 : i32
      %dma_start3A_112 = tpu.memref_slice %arg6[%add3A_110, %dma_start3A_111] : memref<125x80xi32, #tpu.memory_space<vmem>> -> memref<1x80xi32, #tpu.memory_space<vmem>>
      %dma_start3A_113 = tpu.memref_squeeze %dma_start3A_112 : memref<1x80xi32, #tpu.memory_space<vmem>> -> memref<80xi32, #tpu.memory_space<vmem>>
      %dma_start3A_114 = arith.constant 0 : i32
      %dma_start3A_115 = arith.constant 0 : i32
      %dma_start3A_116 = tpu.memref_slice %arg2[%dma_start3A_114, %dma_start3A_115] : memref<10000x128xf32, #tpu.memory_space<hbm>> -> memref<10000x128xf32, #tpu.memory_space<hbm>>
      tpu.enqueue_indirect_dma source(%dma_start3A_116 : memref<10000x128xf32, #tpu.memory_space<hbm>>) target(%arg9 : memref<80x128xf32, #tpu.memory_space<vmem>>) offsets(%dma_start3A_113 : memref<80xi32, #tpu.memory_space<vmem>>) semaphore(%arg13 : memref<!tpu.dma_semaphore, #tpu.memory_space<semaphore_mem>>)
      %add3A_117 = arith.constant 2 : i32
      %add3A_118 = arith.addi %mul3A_86, %add3A_117 : i32
      %dma_wait3A_119 = arith.constant 0 : i32
      %dma_wait3A_120 = arith.constant 0 : i32
      %dma_wait3A_121 = tpu.memref_slice %arg2[%dma_wait3A_119, %dma_wait3A_120] : memref<10000x128xf32, #tpu.memory_space<hbm>> -> memref<80x128xf32, #tpu.memory_space<hbm>>
      %dma_wait3A_122 = arith.constant 0 : i32
      %dma_wait3A_123 = arith.constant 0 : i32
      %dma_wait3A_124 = tpu.memref_slice %arg2[%dma_wait3A_122, %dma_wait3A_123] : memref<10000x128xf32, #tpu.memory_space<hbm>> -> memref<80x128xf32, #tpu.memory_space<hbm>>
      tpu.wait_dma2 semaphore(%arg14 : memref<!tpu.dma_semaphore, #tpu.memory_space<semaphore_mem>>) src(%dma_wait3A_124 : memref<80x128xf32, #tpu.memory_space<hbm>>) dst(%arg10 : memref<80x128xf32, #tpu.memory_space<vmem>>)
      "tpu.region"() ({
        %run_scoped3A_133 = tpu.sem_alloc : memref<!tpu.dma_semaphore, #tpu.memory_space<semaphore_mem>>
        %dma_start3A_134 = arith.constant 0 : i32
        %dma_start3A_135 = tpu.memref_slice %arg7[%add3A_118, %dma_start3A_134] : memref<125x80xi32, #tpu.memory_space<vmem>> -> memref<1x80xi32, #tpu.memory_space<vmem>>
        %dma_start3A_136 = tpu.memref_squeeze %dma_start3A_135 : memref<1x80xi32, #tpu.memory_space<vmem>> -> memref<80xi32, #tpu.memory_space<vmem>>
        %dma_start3A_137 = arith.constant 0 : i32
        %dma_start3A_138 = arith.constant 0 : i32
        %dma_start3A_139 = tpu.memref_slice %arg11[%dma_start3A_137, %dma_start3A_138] : memref<10000x128xf32, #tpu.memory_space<vmem_shared>> -> memref<10000x128xf32, #tpu.memory_space<vmem_shared>>
        tpu.enqueue_indirect_dma source(%arg10 : memref<80x128xf32, #tpu.memory_space<vmem>>) target(%dma_start3A_139 : memref<10000x128xf32, #tpu.memory_space<vmem_shared>>) offsets(%dma_start3A_136 : memref<80xi32, #tpu.memory_space<vmem>>) semaphore(%run_scoped3A_133 : memref<!tpu.dma_semaphore, #tpu.memory_space<semaphore_mem>>) {add = true}
        %dma_wait3A_140 = arith.constant 0 : i32
        %dma_wait3A_141 = tpu.memref_slice %arg7[%add3A_118, %dma_wait3A_140] : memref<125x80xi32, #tpu.memory_space<vmem>> -> memref<1x80xi32, #tpu.memory_space<vmem>>
        %dma_wait3A_142 = tpu.memref_squeeze %dma_wait3A_141 : memref<1x80xi32, #tpu.memory_space<vmem>> -> memref<80xi32, #tpu.memory_space<vmem>>
        %dma_wait3A_143 = arith.constant 0 : i32
        %dma_wait3A_144 = arith.constant 0 : i32
        %dma_wait3A_145 = tpu.memref_slice %arg11[%dma_wait3A_143, %dma_wait3A_144] : memref<10000x128xf32, #tpu.memory_space<vmem_shared>> -> memref<10000x128xf32, #tpu.memory_space<vmem_shared>>
        tpu.wait_indirect_dma semaphore(%run_scoped3A_133 : memref<!tpu.dma_semaphore, #tpu.memory_space<semaphore_mem>>) src(%arg10 : memref<80x128xf32, #tpu.memory_space<vmem>>) dst(%dma_wait3A_145 : memref<10000x128xf32, #tpu.memory_space<vmem_shared>>)
        tpu.yield
      }) : () -> ()
      %add3A_125 = arith.constant 5 : i32
      %add3A_126 = arith.addi %mul3A_86, %add3A_125 : i32
      %dma_start3A_127 = arith.constant 0 : i32
      %dma_start3A_128 = tpu.memref_slice %arg6[%add3A_126, %dma_start3A_127] : memref<125x80xi32, #tpu.memory_space<vmem>> -> memref<1x80xi32, #tpu.memory_space<vmem>>
      %dma_start3A_129 = tpu.memref_squeeze %dma_start3A_128 : memref<1x80xi32, #tpu.memory_space<vmem>> -> memref<80xi32, #tpu.memory_space<vmem>>
      %dma_start3A_130 = arith.constant 0 : i32
      %dma_start3A_131 = arith.constant 0 : i32
      %dma_start3A_132 = tpu.memref_slice %arg2[%dma_start3A_130, %dma_start3A_131] : memref<10000x128xf32, #tpu.memory_space<hbm>> -> memref<10000x128xf32, #tpu.memory_space<hbm>>
      tpu.enqueue_indirect_dma source(%dma_start3A_132 : memref<10000x128xf32, #tpu.memory_space<hbm>>) target(%arg10 : memref<80x128xf32, #tpu.memory_space<vmem>>) offsets(%dma_start3A_129 : memref<80xi32, #tpu.memory_space<vmem>>) semaphore(%arg14 : memref<!tpu.dma_semaphore, #tpu.memory_space<semaphore_mem>>)
    }
    %scan3A_34 = arith.constant 40 : i32
    %dma_wait3A = arith.constant 0 : i32
    %dma_wait3A_35 = arith.constant 0 : i32
    %dma_wait3A_36 = tpu.memref_slice %arg2[%dma_wait3A, %dma_wait3A_35] : memref<10000x128xf32, #tpu.memory_space<hbm>> -> memref<80x128xf32, #tpu.memory_space<hbm>>
    %dma_wait3A_37 = arith.constant 0 : i32
    %dma_wait3A_38 = arith.constant 0 : i32
    %dma_wait3A_39 = tpu.memref_slice %arg2[%dma_wait3A_37, %dma_wait3A_38] : memref<10000x128xf32, #tpu.memory_space<hbm>> -> memref<80x128xf32, #tpu.memory_space<hbm>>
    tpu.wait_dma2 semaphore(%arg12 : memref<!tpu.dma_semaphore, #tpu.memory_space<semaphore_mem>>) src(%dma_wait3A_39 : memref<80x128xf32, #tpu.memory_space<hbm>>) dst(%arg8 : memref<80x128xf32, #tpu.memory_space<vmem>>)
    %run_scoped3A_40 = arith.constant 120 : i32
    "tpu.region"() ({
      %run_scoped3A_84 = tpu.sem_alloc : memref<!tpu.dma_semaphore, #tpu.memory_space<semaphore_mem>>
      %dma_start3A_85 = arith.constant 0 : i32
      %dma_start3A_86 = tpu.memref_slice %arg7[%run_scoped3A_40, %dma_start3A_85] : memref<125x80xi32, #tpu.memory_space<vmem>> -> memref<1x80xi32, #tpu.memory_space<vmem>>
      %dma_start3A_87 = tpu.memref_squeeze %dma_start3A_86 : memref<1x80xi32, #tpu.memory_space<vmem>> -> memref<80xi32, #tpu.memory_space<vmem>>
      %dma_start3A_88 = arith.constant 0 : i32
      %dma_start3A_89 = arith.constant 0 : i32
      %dma_start3A_90 = tpu.memref_slice %arg11[%dma_start3A_88, %dma_start3A_89] : memref<10000x128xf32, #tpu.memory_space<vmem_shared>> -> memref<10000x128xf32, #tpu.memory_space<vmem_shared>>
      tpu.enqueue_indirect_dma source(%arg8 : memref<80x128xf32, #tpu.memory_space<vmem>>) target(%dma_start3A_90 : memref<10000x128xf32, #tpu.memory_space<vmem_shared>>) offsets(%dma_start3A_87 : memref<80xi32, #tpu.memory_space<vmem>>) semaphore(%run_scoped3A_84 : memref<!tpu.dma_semaphore, #tpu.memory_space<semaphore_mem>>) {add = true}
      %dma_wait3A_91 = arith.constant 0 : i32
      %dma_wait3A_92 = tpu.memref_slice %arg7[%run_scoped3A_40, %dma_wait3A_91] : memref<125x80xi32, #tpu.memory_space<vmem>> -> memref<1x80xi32, #tpu.memory_space<vmem>>
      %dma_wait3A_93 = tpu.memref_squeeze %dma_wait3A_92 : memref<1x80xi32, #tpu.memory_space<vmem>> -> memref<80xi32, #tpu.memory_space<vmem>>
      %dma_wait3A_94 = arith.constant 0 : i32
      %dma_wait3A_95 = arith.constant 0 : i32
      %dma_wait3A_96 = tpu.memref_slice %arg11[%dma_wait3A_94, %dma_wait3A_95] : memref<10000x128xf32, #tpu.memory_space<vmem_shared>> -> memref<10000x128xf32, #tpu.memory_space<vmem_shared>>
      tpu.wait_indirect_dma semaphore(%run_scoped3A_84 : memref<!tpu.dma_semaphore, #tpu.memory_space<semaphore_mem>>) src(%arg8 : memref<80x128xf32, #tpu.memory_space<vmem>>) dst(%dma_wait3A_96 : memref<10000x128xf32, #tpu.memory_space<vmem_shared>>)
      tpu.yield
    }) : () -> ()
    %dma_start3A_41 = arith.constant 123 : i32
    %dma_start3A_42 = arith.constant 0 : i32
    %dma_start3A_43 = tpu.memref_slice %arg6[%dma_start3A_41, %dma_start3A_42] : memref<125x80xi32, #tpu.memory_space<vmem>> -> memref<1x80xi32, #tpu.memory_space<vmem>>
    %dma_start3A_44 = tpu.memref_squeeze %dma_start3A_43 : memref<1x80xi32, #tpu.memory_space<vmem>> -> memref<80xi32, #tpu.memory_space<vmem>>
    %dma_start3A_45 = arith.constant 0 : i32
    %dma_start3A_46 = arith.constant 0 : i32
    %dma_start3A_47 = tpu.memref_slice %arg2[%dma_start3A_45, %dma_start3A_46] : memref<10000x128xf32, #tpu.memory_space<hbm>> -> memref<10000x128xf32, #tpu.memory_space<hbm>>
    tpu.enqueue_indirect_dma source(%dma_start3A_47 : memref<10000x128xf32, #tpu.memory_space<hbm>>) target(%arg8 : memref<80x128xf32, #tpu.memory_space<vmem>>) offsets(%dma_start3A_44 : memref<80xi32, #tpu.memory_space<vmem>>) semaphore(%arg12 : memref<!tpu.dma_semaphore, #tpu.memory_space<semaphore_mem>>)
    %dma_wait3A_48 = arith.constant 0 : i32
    %dma_wait3A_49 = arith.constant 0 : i32
    %dma_wait3A_50 = tpu.memref_slice %arg2[%dma_wait3A_48, %dma_wait3A_49] : memref<10000x128xf32, #tpu.memory_space<hbm>> -> memref<80x128xf32, #tpu.memory_space<hbm>>
    %dma_wait3A_51 = arith.constant 0 : i32
    %dma_wait3A_52 = arith.constant 0 : i32
    %dma_wait3A_53 = tpu.memref_slice %arg2[%dma_wait3A_51, %dma_wait3A_52] : memref<10000x128xf32, #tpu.memory_space<hbm>> -> memref<80x128xf32, #tpu.memory_space<hbm>>
    tpu.wait_dma2 semaphore(%arg13 : memref<!tpu.dma_semaphore, #tpu.memory_space<semaphore_mem>>) src(%dma_wait3A_53 : memref<80x128xf32, #tpu.memory_space<hbm>>) dst(%arg9 : memref<80x128xf32, #tpu.memory_space<vmem>>)
    %run_scoped3A_54 = arith.constant 121 : i32
    "tpu.region"() ({
      %run_scoped3A_84 = tpu.sem_alloc : memref<!tpu.dma_semaphore, #tpu.memory_space<semaphore_mem>>
      %dma_start3A_85 = arith.constant 0 : i32
      %dma_start3A_86 = tpu.memref_slice %arg7[%run_scoped3A_54, %dma_start3A_85] : memref<125x80xi32, #tpu.memory_space<vmem>> -> memref<1x80xi32, #tpu.memory_space<vmem>>
      %dma_start3A_87 = tpu.memref_squeeze %dma_start3A_86 : memref<1x80xi32, #tpu.memory_space<vmem>> -> memref<80xi32, #tpu.memory_space<vmem>>
      %dma_start3A_88 = arith.constant 0 : i32
      %dma_start3A_89 = arith.constant 0 : i32
      %dma_start3A_90 = tpu.memref_slice %arg11[%dma_start3A_88, %dma_start3A_89] : memref<10000x128xf32, #tpu.memory_space<vmem_shared>> -> memref<10000x128xf32, #tpu.memory_space<vmem_shared>>
      tpu.enqueue_indirect_dma source(%arg9 : memref<80x128xf32, #tpu.memory_space<vmem>>) target(%dma_start3A_90 : memref<10000x128xf32, #tpu.memory_space<vmem_shared>>) offsets(%dma_start3A_87 : memref<80xi32, #tpu.memory_space<vmem>>) semaphore(%run_scoped3A_84 : memref<!tpu.dma_semaphore, #tpu.memory_space<semaphore_mem>>) {add = true}
      %dma_wait3A_91 = arith.constant 0 : i32
      %dma_wait3A_92 = tpu.memref_slice %arg7[%run_scoped3A_54, %dma_wait3A_91] : memref<125x80xi32, #tpu.memory_space<vmem>> -> memref<1x80xi32, #tpu.memory_space<vmem>>
      %dma_wait3A_93 = tpu.memref_squeeze %dma_wait3A_92 : memref<1x80xi32, #tpu.memory_space<vmem>> -> memref<80xi32, #tpu.memory_space<vmem>>
      %dma_wait3A_94 = arith.constant 0 : i32
      %dma_wait3A_95 = arith.constant 0 : i32
      %dma_wait3A_96 = tpu.memref_slice %arg11[%dma_wait3A_94, %dma_wait3A_95] : memref<10000x128xf32, #tpu.memory_space<vmem_shared>> -> memref<10000x128xf32, #tpu.memory_space<vmem_shared>>
      tpu.wait_indirect_dma semaphore(%run_scoped3A_84 : memref<!tpu.dma_semaphore, #tpu.memory_space<semaphore_mem>>) src(%arg9 : memref<80x128xf32, #tpu.memory_space<vmem>>) dst(%dma_wait3A_96 : memref<10000x128xf32, #tpu.memory_space<vmem_shared>>)
      tpu.yield
    }) : () -> ()
    %dma_start3A_55 = arith.constant 124 : i32
    %dma_start3A_56 = arith.constant 0 : i32
    %dma_start3A_57 = tpu.memref_slice %arg6[%dma_start3A_55, %dma_start3A_56] : memref<125x80xi32, #tpu.memory_space<vmem>> -> memref<1x80xi32, #tpu.memory_space<vmem>>
    %dma_start3A_58 = tpu.memref_squeeze %dma_start3A_57 : memref<1x80xi32, #tpu.memory_space<vmem>> -> memref<80xi32, #tpu.memory_space<vmem>>
    %dma_start3A_59 = arith.constant 0 : i32
    %dma_start3A_60 = arith.constant 0 : i32
    %dma_start3A_61 = tpu.memref_slice %arg2[%dma_start3A_59, %dma_start3A_60] : memref<10000x128xf32, #tpu.memory_space<hbm>> -> memref<10000x128xf32, #tpu.memory_space<hbm>>
    tpu.enqueue_indirect_dma source(%dma_start3A_61 : memref<10000x128xf32, #tpu.memory_space<hbm>>) target(%arg9 : memref<80x128xf32, #tpu.memory_space<vmem>>) offsets(%dma_start3A_58 : memref<80xi32, #tpu.memory_space<vmem>>) semaphore(%arg13 : memref<!tpu.dma_semaphore, #tpu.memory_space<semaphore_mem>>)
    %dma_wait3A_62 = arith.constant 0 : i32
    %dma_wait3A_63 = arith.constant 0 : i32
    %dma_wait3A_64 = tpu.memref_slice %arg2[%dma_wait3A_62, %dma_wait3A_63] : memref<10000x128xf32, #tpu.memory_space<hbm>> -> memref<80x128xf32, #tpu.memory_space<hbm>>
    %dma_wait3A_65 = arith.constant 0 : i32
    %dma_wait3A_66 = arith.constant 0 : i32
    %dma_wait3A_67 = tpu.memref_slice %arg2[%dma_wait3A_65, %dma_wait3A_66] : memref<10000x128xf32, #tpu.memory_space<hbm>> -> memref<80x128xf32, #tpu.memory_space<hbm>>
    tpu.wait_dma2 semaphore(%arg14 : memref<!tpu.dma_semaphore, #tpu.memory_space<semaphore_mem>>) src(%dma_wait3A_67 : memref<80x128xf32, #tpu.memory_space<hbm>>) dst(%arg10 : memref<80x128xf32, #tpu.memory_space<vmem>>)
    %run_scoped3A_68 = arith.constant 122 : i32
    "tpu.region"() ({
      %run_scoped3A_84 = tpu.sem_alloc : memref<!tpu.dma_semaphore, #tpu.memory_space<semaphore_mem>>
      %dma_start3A_85 = arith.constant 0 : i32
      %dma_start3A_86 = tpu.memref_slice %arg7[%run_scoped3A_68, %dma_start3A_85] : memref<125x80xi32, #tpu.memory_space<vmem>> -> memref<1x80xi32, #tpu.memory_space<vmem>>
      %dma_start3A_87 = tpu.memref_squeeze %dma_start3A_86 : memref<1x80xi32, #tpu.memory_space<vmem>> -> memref<80xi32, #tpu.memory_space<vmem>>
      %dma_start3A_88 = arith.constant 0 : i32
      %dma_start3A_89 = arith.constant 0 : i32
      %dma_start3A_90 = tpu.memref_slice %arg11[%dma_start3A_88, %dma_start3A_89] : memref<10000x128xf32, #tpu.memory_space<vmem_shared>> -> memref<10000x128xf32, #tpu.memory_space<vmem_shared>>
      tpu.enqueue_indirect_dma source(%arg10 : memref<80x128xf32, #tpu.memory_space<vmem>>) target(%dma_start3A_90 : memref<10000x128xf32, #tpu.memory_space<vmem_shared>>) offsets(%dma_start3A_87 : memref<80xi32, #tpu.memory_space<vmem>>) semaphore(%run_scoped3A_84 : memref<!tpu.dma_semaphore, #tpu.memory_space<semaphore_mem>>) {add = true}
      %dma_wait3A_91 = arith.constant 0 : i32
      %dma_wait3A_92 = tpu.memref_slice %arg7[%run_scoped3A_68, %dma_wait3A_91] : memref<125x80xi32, #tpu.memory_space<vmem>> -> memref<1x80xi32, #tpu.memory_space<vmem>>
      %dma_wait3A_93 = tpu.memref_squeeze %dma_wait3A_92 : memref<1x80xi32, #tpu.memory_space<vmem>> -> memref<80xi32, #tpu.memory_space<vmem>>
      %dma_wait3A_94 = arith.constant 0 : i32
      %dma_wait3A_95 = arith.constant 0 : i32
      %dma_wait3A_96 = tpu.memref_slice %arg11[%dma_wait3A_94, %dma_wait3A_95] : memref<10000x128xf32, #tpu.memory_space<vmem_shared>> -> memref<10000x128xf32, #tpu.memory_space<vmem_shared>>
      tpu.wait_indirect_dma semaphore(%run_scoped3A_84 : memref<!tpu.dma_semaphore, #tpu.memory_space<semaphore_mem>>) src(%arg10 : memref<80x128xf32, #tpu.memory_space<vmem>>) dst(%dma_wait3A_96 : memref<10000x128xf32, #tpu.memory_space<vmem_shared>>)
      tpu.yield
    }) : () -> ()
    %dma_wait3A_69 = arith.constant 0 : i32
    %dma_wait3A_70 = arith.constant 0 : i32
    %dma_wait3A_71 = tpu.memref_slice %arg2[%dma_wait3A_69, %dma_wait3A_70] : memref<10000x128xf32, #tpu.memory_space<hbm>> -> memref<80x128xf32, #tpu.memory_space<hbm>>
    %dma_wait3A_72 = arith.constant 0 : i32
    %dma_wait3A_73 = arith.constant 0 : i32
    %dma_wait3A_74 = tpu.memref_slice %arg2[%dma_wait3A_72, %dma_wait3A_73] : memref<10000x128xf32, #tpu.memory_space<hbm>> -> memref<80x128xf32, #tpu.memory_space<hbm>>
    tpu.wait_dma2 semaphore(%arg12 : memref<!tpu.dma_semaphore, #tpu.memory_space<semaphore_mem>>) src(%dma_wait3A_74 : memref<80x128xf32, #tpu.memory_space<hbm>>) dst(%arg8 : memref<80x128xf32, #tpu.memory_space<vmem>>)
    %run_scoped3A_75 = arith.constant 123 : i32
    "tpu.region"() ({
      %run_scoped3A_84 = tpu.sem_alloc : memref<!tpu.dma_semaphore, #tpu.memory_space<semaphore_mem>>
      %dma_start3A_85 = arith.constant 0 : i32
      %dma_start3A_86 = tpu.memref_slice %arg7[%run_scoped3A_75, %dma_start3A_85] : memref<125x80xi32, #tpu.memory_space<vmem>> -> memref<1x80xi32, #tpu.memory_space<vmem>>
      %dma_start3A_87 = tpu.memref_squeeze %dma_start3A_86 : memref<1x80xi32, #tpu.memory_space<vmem>> -> memref<80xi32, #tpu.memory_space<vmem>>
      %dma_start3A_88 = arith.constant 0 : i32
      %dma_start3A_89 = arith.constant 0 : i32
      %dma_start3A_90 = tpu.memref_slice %arg11[%dma_start3A_88, %dma_start3A_89] : memref<10000x128xf32, #tpu.memory_space<vmem_shared>> -> memref<10000x128xf32, #tpu.memory_space<vmem_shared>>
      tpu.enqueue_indirect_dma source(%arg8 : memref<80x128xf32, #tpu.memory_space<vmem>>) target(%dma_start3A_90 : memref<10000x128xf32, #tpu.memory_space<vmem_shared>>) offsets(%dma_start3A_87 : memref<80xi32, #tpu.memory_space<vmem>>) semaphore(%run_scoped3A_84 : memref<!tpu.dma_semaphore, #tpu.memory_space<semaphore_mem>>) {add = true}
      %dma_wait3A_91 = arith.constant 0 : i32
      %dma_wait3A_92 = tpu.memref_slice %arg7[%run_scoped3A_75, %dma_wait3A_91] : memref<125x80xi32, #tpu.memory_space<vmem>> -> memref<1x80xi32, #tpu.memory_space<vmem>>
      %dma_wait3A_93 = tpu.memref_squeeze %dma_wait3A_92 : memref<1x80xi32, #tpu.memory_space<vmem>> -> memref<80xi32, #tpu.memory_space<vmem>>
      %dma_wait3A_94 = arith.constant 0 : i32
      %dma_wait3A_95 = arith.constant 0 : i32
      %dma_wait3A_96 = tpu.memref_slice %arg11[%dma_wait3A_94, %dma_wait3A_95] : memref<10000x128xf32, #tpu.memory_space<vmem_shared>> -> memref<10000x128xf32, #tpu.memory_space<vmem_shared>>
      tpu.wait_indirect_dma semaphore(%run_scoped3A_84 : memref<!tpu.dma_semaphore, #tpu.memory_space<semaphore_mem>>) src(%arg8 : memref<80x128xf32, #tpu.memory_space<vmem>>) dst(%dma_wait3A_96 : memref<10000x128xf32, #tpu.memory_space<vmem_shared>>)
      tpu.yield
    }) : () -> ()
    %dma_wait3A_76 = arith.constant 0 : i32
    %dma_wait3A_77 = arith.constant 0 : i32
    %dma_wait3A_78 = tpu.memref_slice %arg2[%dma_wait3A_76, %dma_wait3A_77] : memref<10000x128xf32, #tpu.memory_space<hbm>> -> memref<80x128xf32, #tpu.memory_space<hbm>>
    %dma_wait3A_79 = arith.constant 0 : i32
    %dma_wait3A_80 = arith.constant 0 : i32
    %dma_wait3A_81 = tpu.memref_slice %arg2[%dma_wait3A_79, %dma_wait3A_80] : memref<10000x128xf32, #tpu.memory_space<hbm>> -> memref<80x128xf32, #tpu.memory_space<hbm>>
    tpu.wait_dma2 semaphore(%arg13 : memref<!tpu.dma_semaphore, #tpu.memory_space<semaphore_mem>>) src(%dma_wait3A_81 : memref<80x128xf32, #tpu.memory_space<hbm>>) dst(%arg9 : memref<80x128xf32, #tpu.memory_space<vmem>>)
    %run_scoped3A_82 = arith.constant 124 : i32
    "tpu.region"() ({
      %run_scoped3A_84 = tpu.sem_alloc : memref<!tpu.dma_semaphore, #tpu.memory_space<semaphore_mem>>
      %dma_start3A_85 = arith.constant 0 : i32
      %dma_start3A_86 = tpu.memref_slice %arg7[%run_scoped3A_82, %dma_start3A_85] : memref<125x80xi32, #tpu.memory_space<vmem>> -> memref<1x80xi32, #tpu.memory_space<vmem>>
      %dma_start3A_87 = tpu.memref_squeeze %dma_start3A_86 : memref<1x80xi32, #tpu.memory_space<vmem>> -> memref<80xi32, #tpu.memory_space<vmem>>
      %dma_start3A_88 = arith.constant 0 : i32
      %dma_start3A_89 = arith.constant 0 : i32
      %dma_start3A_90 = tpu.memref_slice %arg11[%dma_start3A_88, %dma_start3A_89] : memref<10000x128xf32, #tpu.memory_space<vmem_shared>> -> memref<10000x128xf32, #tpu.memory_space<vmem_shared>>
      tpu.enqueue_indirect_dma source(%arg9 : memref<80x128xf32, #tpu.memory_space<vmem>>) target(%dma_start3A_90 : memref<10000x128xf32, #tpu.memory_space<vmem_shared>>) offsets(%dma_start3A_87 : memref<80xi32, #tpu.memory_space<vmem>>) semaphore(%run_scoped3A_84 : memref<!tpu.dma_semaphore, #tpu.memory_space<semaphore_mem>>) {add = true}
      %dma_wait3A_91 = arith.constant 0 : i32
      %dma_wait3A_92 = tpu.memref_slice %arg7[%run_scoped3A_82, %dma_wait3A_91] : memref<125x80xi32, #tpu.memory_space<vmem>> -> memref<1x80xi32, #tpu.memory_space<vmem>>
      %dma_wait3A_93 = tpu.memref_squeeze %dma_wait3A_92 : memref<1x80xi32, #tpu.memory_space<vmem>> -> memref<80xi32, #tpu.memory_space<vmem>>
      %dma_wait3A_94 = arith.constant 0 : i32
      %dma_wait3A_95 = arith.constant 0 : i32
      %dma_wait3A_96 = tpu.memref_slice %arg11[%dma_wait3A_94, %dma_wait3A_95] : memref<10000x128xf32, #tpu.memory_space<vmem_shared>> -> memref<10000x128xf32, #tpu.memory_space<vmem_shared>>
      tpu.wait_indirect_dma semaphore(%run_scoped3A_84 : memref<!tpu.dma_semaphore, #tpu.memory_space<semaphore_mem>>) src(%arg9 : memref<80x128xf32, #tpu.memory_space<vmem>>) dst(%dma_wait3A_96 : memref<10000x128xf32, #tpu.memory_space<vmem_shared>>)
      tpu.yield
    }) : () -> ()
    %barrier3A_83 = arith.constant 0 : index
    tpu.barrier barrier_id(%barrier3A_83)
    "tpu.region"() ({
      %run_scoped3A_84 = tpu.sem_alloc : memref<!tpu.dma_semaphore, #tpu.memory_space<semaphore_mem>>
      %dma_start3A_85 = arith.constant 0 : i32
      %dma_start3A_86 = tpu.memref_slice %arg5[%arg0, %mul3A_0, %dma_start3A_85] : memref<2x10000x128xf32, #tpu.memory_space<hbm>> -> memref<1x625x128xf32, #tpu.memory_space<hbm>>
      %dma_start3A_87 = tpu.memref_squeeze %dma_start3A_86 : memref<1x625x128xf32, #tpu.memory_space<hbm>> -> memref<625x128xf32, #tpu.memory_space<hbm>>
      %dma_start3A_88 = arith.constant 0 : i32
      %dma_start3A_89 = tpu.memref_slice %arg11[%mul3A_0, %dma_start3A_88] : memref<10000x128xf32, #tpu.memory_space<vmem_shared>> -> memref<625x128xf32, #tpu.memory_space<vmem_shared>>
      tpu.enqueue_dma source(%dma_start3A_89 : memref<625x128xf32, #tpu.memory_space<vmem_shared>>) target(%dma_start3A_87 : memref<625x128xf32, #tpu.memory_space<hbm>>) target_semaphore(%run_scoped3A_84 : memref<!tpu.dma_semaphore, #tpu.memory_space<semaphore_mem>>)
      %dma_wait3A_90 = arith.constant 0 : i32
      %dma_wait3A_91 = tpu.memref_slice %arg5[%arg0, %mul3A_0, %dma_wait3A_90] : memref<2x10000x128xf32, #tpu.memory_space<hbm>> -> memref<1x625x128xf32, #tpu.memory_space<hbm>>
      %dma_wait3A_92 = tpu.memref_squeeze %dma_wait3A_91 : memref<1x625x128xf32, #tpu.memory_space<hbm>> -> memref<625x128xf32, #tpu.memory_space<hbm>>
      %dma_wait3A_93 = arith.constant 0 : i32
      %dma_wait3A_94 = tpu.memref_slice %arg11[%mul3A_0, %dma_wait3A_93] : memref<10000x128xf32, #tpu.memory_space<vmem_shared>> -> memref<625x128xf32, #tpu.memory_space<vmem_shared>>
      tpu.wait_dma2 semaphore(%run_scoped3A_84 : memref<!tpu.dma_semaphore, #tpu.memory_space<semaphore_mem>>) src(%dma_wait3A_94 : memref<625x128xf32, #tpu.memory_space<vmem_shared>>) dst(%dma_wait3A_92 : memref<625x128xf32, #tpu.memory_space<hbm>>)
      tpu.yield
    }) : () -> ()
    return
  }
}

#map = affine_map<(d0, d1) -> (0, 0, 0, 0)>
#map1 = affine_map<(d0, d1) -> (0, 0)>
#map2 = affine_map<(d0, d1) -> (0, 0, 0)>
module attributes {stable_mosaic.version = 14 : i64} {
  func.func @_deg_pass(%arg0: i32, %arg1: i32, %arg2: memref<2x32x125x80xi32, #tpu.memory_space<hbm>>, %arg3: memref<625x16xf32, #tpu.memory_space<hbm>>, %arg4: memref<625x16xf32, #tpu.memory_space<hbm>>, %arg5: memref<2x10000x16xf32, #tpu.memory_space<hbm>>, %arg6: memref<125x80xi32, #tpu.memory_space<vmem>>, %arg7: memref<80x16xf32, #tpu.memory_space<vmem>>, %arg8: memref<10000x16xf32, #tpu.memory_space<vmem_shared>>, %arg9: memref<!tpu.dma_semaphore, #tpu.memory_space<semaphore_mem>>) attributes {dimension_semantics = [#tpu.dimension_semantics<core_parallel>, #tpu.dimension_semantics<subcore_parallel>], iteration_bounds = array<i64: 2, 16>, scalar_prefetch = 0 : i64, scratch_operands = 4 : i64, tpu.core_type = #tpu.core_type<sc_vector_subcore>, window_params = [{transform_indices = #map}, {transform_indices = #map1}, {transform_indices = #map1}, {transform_indices = #map2}]} {
    %mul3A = arith.constant 625 : i32
    %mul3A_0 = arith.muli %arg1, %mul3A : i32
    %mul3A_1 = arith.constant 2 : i32
    %mul3A_2 = arith.muli %arg1, %mul3A_1 : i32
    %add3A = arith.addi %mul3A_2, %arg0 : i32
    %run_scoped3A = arith.constant 1 : i32
    "tpu.region"() ({
      %run_scoped3A_21 = tpu.sem_alloc : memref<!tpu.dma_semaphore, #tpu.memory_space<semaphore_mem>>
      %dma_start3A = arith.constant 0 : i32
      %dma_start3A_22 = arith.constant 0 : i32
      %dma_start3A_23 = tpu.memref_slice %arg2[%run_scoped3A, %add3A, %dma_start3A, %dma_start3A_22] : memref<2x32x125x80xi32, #tpu.memory_space<hbm>> -> memref<1x1x125x80xi32, #tpu.memory_space<hbm>>
      %dma_start3A_24 = tpu.memref_squeeze %dma_start3A_23 : memref<1x1x125x80xi32, #tpu.memory_space<hbm>> -> memref<125x80xi32, #tpu.memory_space<hbm>>
      %dma_start3A_25 = arith.constant 0 : i32
      %dma_start3A_26 = arith.constant 0 : i32
      %dma_start3A_27 = tpu.memref_slice %arg2[%run_scoped3A, %add3A, %dma_start3A_25, %dma_start3A_26] : memref<2x32x125x80xi32, #tpu.memory_space<hbm>> -> memref<1x1x125x80xi32, #tpu.memory_space<hbm>>
      %dma_start3A_28 = tpu.memref_squeeze %dma_start3A_27 : memref<1x1x125x80xi32, #tpu.memory_space<hbm>> -> memref<125x80xi32, #tpu.memory_space<hbm>>
      tpu.enqueue_dma source(%dma_start3A_28 : memref<125x80xi32, #tpu.memory_space<hbm>>) target(%arg6 : memref<125x80xi32, #tpu.memory_space<vmem>>) target_semaphore(%run_scoped3A_21 : memref<!tpu.dma_semaphore, #tpu.memory_space<semaphore_mem>>)
      %dma_wait3A = arith.constant 0 : i32
      %dma_wait3A_29 = arith.constant 0 : i32
      %dma_wait3A_30 = tpu.memref_slice %arg2[%run_scoped3A, %add3A, %dma_wait3A, %dma_wait3A_29] : memref<2x32x125x80xi32, #tpu.memory_space<hbm>> -> memref<1x1x125x80xi32, #tpu.memory_space<hbm>>
      %dma_wait3A_31 = tpu.memref_squeeze %dma_wait3A_30 : memref<1x1x125x80xi32, #tpu.memory_space<hbm>> -> memref<125x80xi32, #tpu.memory_space<hbm>>
      %dma_wait3A_32 = arith.constant 0 : i32
      %dma_wait3A_33 = arith.constant 0 : i32
      %dma_wait3A_34 = tpu.memref_slice %arg2[%run_scoped3A, %add3A, %dma_wait3A_32, %dma_wait3A_33] : memref<2x32x125x80xi32, #tpu.memory_space<hbm>> -> memref<1x1x125x80xi32, #tpu.memory_space<hbm>>
      %dma_wait3A_35 = tpu.memref_squeeze %dma_wait3A_34 : memref<1x1x125x80xi32, #tpu.memory_space<hbm>> -> memref<125x80xi32, #tpu.memory_space<hbm>>
      tpu.wait_dma2 semaphore(%run_scoped3A_21 : memref<!tpu.dma_semaphore, #tpu.memory_space<semaphore_mem>>) src(%dma_wait3A_35 : memref<125x80xi32, #tpu.memory_space<hbm>>) dst(%arg6 : memref<125x80xi32, #tpu.memory_space<vmem>>)
      tpu.yield
    }) : () -> ()
    %eq3A = arith.constant 0 : i32
    %eq3A_3 = arith.cmpi eq, %arg0, %eq3A : i32
    %convert_element_type3A = arith.extui %eq3A_3 : i1 to i32
    %cond3A = arith.constant 0 : i32
    %cond3A_4 = arith.cmpi ne, %convert_element_type3A, %cond3A : i32
    scf.if %cond3A_4 {
      "tpu.region"() ({
        %run_scoped3A_21 = tpu.sem_alloc : memref<!tpu.dma_semaphore, #tpu.memory_space<semaphore_mem>>
        %dma_start3A = arith.constant 0 : i32
        %dma_start3A_22 = tpu.memref_slice %arg8[%mul3A_0, %dma_start3A] : memref<10000x16xf32, #tpu.memory_space<vmem_shared>> -> memref<625x16xf32, #tpu.memory_space<vmem_shared>>
        tpu.enqueue_dma source(%arg3 : memref<625x16xf32, #tpu.memory_space<hbm>>) target(%dma_start3A_22 : memref<625x16xf32, #tpu.memory_space<vmem_shared>>) target_semaphore(%run_scoped3A_21 : memref<!tpu.dma_semaphore, #tpu.memory_space<semaphore_mem>>)
        %dma_wait3A = arith.constant 0 : i32
        %dma_wait3A_23 = tpu.memref_slice %arg8[%mul3A_0, %dma_wait3A] : memref<10000x16xf32, #tpu.memory_space<vmem_shared>> -> memref<625x16xf32, #tpu.memory_space<vmem_shared>>
        tpu.wait_dma2 semaphore(%run_scoped3A_21 : memref<!tpu.dma_semaphore, #tpu.memory_space<semaphore_mem>>) src(%arg3 : memref<625x16xf32, #tpu.memory_space<hbm>>) dst(%dma_wait3A_23 : memref<625x16xf32, #tpu.memory_space<vmem_shared>>)
        tpu.yield
      }) : () -> ()
    } else {
    }
    %ne3A = arith.constant 0 : i32
    %ne3A_5 = arith.cmpi ne, %arg0, %ne3A : i32
    %convert_element_type3A_6 = arith.extui %ne3A_5 : i1 to i32
    %cond3A_7 = arith.constant 0 : i32
    %cond3A_8 = arith.cmpi ne, %convert_element_type3A_6, %cond3A_7 : i32
    scf.if %cond3A_8 {
      "tpu.region"() ({
        %run_scoped3A_21 = tpu.sem_alloc : memref<!tpu.dma_semaphore, #tpu.memory_space<semaphore_mem>>
        %dma_start3A = arith.constant 0 : i32
        %dma_start3A_22 = tpu.memref_slice %arg8[%mul3A_0, %dma_start3A] : memref<10000x16xf32, #tpu.memory_space<vmem_shared>> -> memref<625x16xf32, #tpu.memory_space<vmem_shared>>
        tpu.enqueue_dma source(%arg4 : memref<625x16xf32, #tpu.memory_space<hbm>>) target(%dma_start3A_22 : memref<625x16xf32, #tpu.memory_space<vmem_shared>>) target_semaphore(%run_scoped3A_21 : memref<!tpu.dma_semaphore, #tpu.memory_space<semaphore_mem>>)
        %dma_wait3A = arith.constant 0 : i32
        %dma_wait3A_23 = tpu.memref_slice %arg8[%mul3A_0, %dma_wait3A] : memref<10000x16xf32, #tpu.memory_space<vmem_shared>> -> memref<625x16xf32, #tpu.memory_space<vmem_shared>>
        tpu.wait_dma2 semaphore(%run_scoped3A_21 : memref<!tpu.dma_semaphore, #tpu.memory_space<semaphore_mem>>) src(%arg4 : memref<625x16xf32, #tpu.memory_space<hbm>>) dst(%dma_wait3A_23 : memref<625x16xf32, #tpu.memory_space<vmem_shared>>)
        tpu.yield
      }) : () -> ()
    } else {
    }
    "tpu.region"() ({
      %run_scoped3A_21 = tpu.sem_alloc : memref<!tpu.dma_semaphore, #tpu.memory_space<semaphore_mem>>
      %dma_start3A = arith.constant 0 : i32
      %dma_start3A_22 = arith.constant 0 : i32
      %dma_start3A_23 = tpu.memref_slice %arg3[%dma_start3A, %dma_start3A_22] : memref<625x16xf32, #tpu.memory_space<hbm>> -> memref<80x16xf32, #tpu.memory_space<hbm>>
      %dma_start3A_24 = arith.constant 0 : i32
      %dma_start3A_25 = arith.constant 0 : i32
      %dma_start3A_26 = tpu.memref_slice %arg3[%dma_start3A_24, %dma_start3A_25] : memref<625x16xf32, #tpu.memory_space<hbm>> -> memref<80x16xf32, #tpu.memory_space<hbm>>
      tpu.enqueue_dma source(%dma_start3A_26 : memref<80x16xf32, #tpu.memory_space<hbm>>) target(%arg7 : memref<80x16xf32, #tpu.memory_space<vmem>>) target_semaphore(%run_scoped3A_21 : memref<!tpu.dma_semaphore, #tpu.memory_space<semaphore_mem>>)
      %dma_wait3A = arith.constant 0 : i32
      %dma_wait3A_27 = arith.constant 0 : i32
      %dma_wait3A_28 = tpu.memref_slice %arg3[%dma_wait3A, %dma_wait3A_27] : memref<625x16xf32, #tpu.memory_space<hbm>> -> memref<80x16xf32, #tpu.memory_space<hbm>>
      %dma_wait3A_29 = arith.constant 0 : i32
      %dma_wait3A_30 = arith.constant 0 : i32
      %dma_wait3A_31 = tpu.memref_slice %arg3[%dma_wait3A_29, %dma_wait3A_30] : memref<625x16xf32, #tpu.memory_space<hbm>> -> memref<80x16xf32, #tpu.memory_space<hbm>>
      tpu.wait_dma2 semaphore(%run_scoped3A_21 : memref<!tpu.dma_semaphore, #tpu.memory_space<semaphore_mem>>) src(%dma_wait3A_31 : memref<80x16xf32, #tpu.memory_space<hbm>>) dst(%arg7 : memref<80x16xf32, #tpu.memory_space<vmem>>)
      tpu.yield
    }) : () -> ()
    %barrier3A = arith.constant 0 : index
    tpu.barrier barrier_id(%barrier3A)
    %scan3A = arith.constant 0 : i32
    %scan3A_9 = arith.constant 0 : i32
    %scan3A_10 = arith.constant 125 : i32
    %scan3A_11 = arith.addi %scan3A_9, %scan3A_10 : i32
    %scan3A_12 = arith.constant 1 : i32
    scf.for %scan3A_21 = %scan3A_9 to %scan3A_11 step %scan3A_12  : i32 {
      %dma_start3A = arith.constant 0 : i32
      %dma_start3A_22 = tpu.memref_slice %arg6[%scan3A_21, %dma_start3A] : memref<125x80xi32, #tpu.memory_space<vmem>> -> memref<1x80xi32, #tpu.memory_space<vmem>>
      %dma_start3A_23 = tpu.memref_squeeze %dma_start3A_22 : memref<1x80xi32, #tpu.memory_space<vmem>> -> memref<80xi32, #tpu.memory_space<vmem>>
      %dma_start3A_24 = arith.constant 0 : i32
      %dma_start3A_25 = arith.constant 0 : i32
      %dma_start3A_26 = tpu.memref_slice %arg8[%dma_start3A_24, %dma_start3A_25] : memref<10000x16xf32, #tpu.memory_space<vmem_shared>> -> memref<10000x16xf32, #tpu.memory_space<vmem_shared>>
      tpu.enqueue_indirect_dma source(%arg7 : memref<80x16xf32, #tpu.memory_space<vmem>>) target(%dma_start3A_26 : memref<10000x16xf32, #tpu.memory_space<vmem_shared>>) offsets(%dma_start3A_23 : memref<80xi32, #tpu.memory_space<vmem>>) semaphore(%arg9 : memref<!tpu.dma_semaphore, #tpu.memory_space<semaphore_mem>>) {add = true}
    }
    %scan3A_13 = arith.constant 125 : i32
    %scan3A_14 = arith.constant 0 : i32
    %scan3A_15 = arith.constant 0 : i32
    %scan3A_16 = arith.constant 125 : i32
    %scan3A_17 = arith.addi %scan3A_15, %scan3A_16 : i32
    %scan3A_18 = arith.constant 1 : i32
    scf.for %scan3A_21 = %scan3A_15 to %scan3A_17 step %scan3A_18  : i32 {
      %dma_wait3A = arith.constant 0 : i32
      %dma_wait3A_22 = arith.constant 0 : i32
      %dma_wait3A_23 = tpu.memref_slice %arg3[%dma_wait3A, %dma_wait3A_22] : memref<625x16xf32, #tpu.memory_space<hbm>> -> memref<80x16xf32, #tpu.memory_space<hbm>>
      %dma_wait3A_24 = arith.constant 0 : i32
      %dma_wait3A_25 = arith.constant 0 : i32
      %dma_wait3A_26 = tpu.memref_slice %arg3[%dma_wait3A_24, %dma_wait3A_25] : memref<625x16xf32, #tpu.memory_space<hbm>> -> memref<80x16xf32, #tpu.memory_space<hbm>>
      tpu.wait_dma2 semaphore(%arg9 : memref<!tpu.dma_semaphore, #tpu.memory_space<semaphore_mem>>) src(%dma_wait3A_26 : memref<80x16xf32, #tpu.memory_space<hbm>>) dst(%arg7 : memref<80x16xf32, #tpu.memory_space<vmem>>)
    }
    %scan3A_19 = arith.constant 125 : i32
    %barrier3A_20 = arith.constant 0 : index
    tpu.barrier barrier_id(%barrier3A_20)
    "tpu.region"() ({
      %run_scoped3A_21 = tpu.sem_alloc : memref<!tpu.dma_semaphore, #tpu.memory_space<semaphore_mem>>
      %dma_start3A = arith.constant 0 : i32
      %dma_start3A_22 = tpu.memref_slice %arg5[%arg0, %mul3A_0, %dma_start3A] : memref<2x10000x16xf32, #tpu.memory_space<hbm>> -> memref<1x625x16xf32, #tpu.memory_space<hbm>>
      %dma_start3A_23 = tpu.memref_squeeze %dma_start3A_22 : memref<1x625x16xf32, #tpu.memory_space<hbm>> -> memref<625x16xf32, #tpu.memory_space<hbm>>
      %dma_start3A_24 = arith.constant 0 : i32
      %dma_start3A_25 = tpu.memref_slice %arg8[%mul3A_0, %dma_start3A_24] : memref<10000x16xf32, #tpu.memory_space<vmem_shared>> -> memref<625x16xf32, #tpu.memory_space<vmem_shared>>
      tpu.enqueue_dma source(%dma_start3A_25 : memref<625x16xf32, #tpu.memory_space<vmem_shared>>) target(%dma_start3A_23 : memref<625x16xf32, #tpu.memory_space<hbm>>) target_semaphore(%run_scoped3A_21 : memref<!tpu.dma_semaphore, #tpu.memory_space<semaphore_mem>>)
      %dma_wait3A = arith.constant 0 : i32
      %dma_wait3A_26 = tpu.memref_slice %arg5[%arg0, %mul3A_0, %dma_wait3A] : memref<2x10000x16xf32, #tpu.memory_space<hbm>> -> memref<1x625x16xf32, #tpu.memory_space<hbm>>
      %dma_wait3A_27 = tpu.memref_squeeze %dma_wait3A_26 : memref<1x625x16xf32, #tpu.memory_space<hbm>> -> memref<625x16xf32, #tpu.memory_space<hbm>>
      %dma_wait3A_28 = arith.constant 0 : i32
      %dma_wait3A_29 = tpu.memref_slice %arg8[%mul3A_0, %dma_wait3A_28] : memref<10000x16xf32, #tpu.memory_space<vmem_shared>> -> memref<625x16xf32, #tpu.memory_space<vmem_shared>>
      tpu.wait_dma2 semaphore(%run_scoped3A_21 : memref<!tpu.dma_semaphore, #tpu.memory_space<semaphore_mem>>) src(%dma_wait3A_29 : memref<625x16xf32, #tpu.memory_space<vmem_shared>>) dst(%dma_wait3A_27 : memref<625x16xf32, #tpu.memory_space<hbm>>)
      tpu.yield
    }) : () -> ()
    return
  }
}

#map = affine_map<(d0, d1) -> (0, 0)>
#map1 = affine_map<(d0, d1) -> (0, 0, 0, 0)>
#map2 = affine_map<(d0, d1) -> (0, 0, 0)>
module attributes {stable_mosaic.version = 14 : i64} {
  func.func @_edge_pass(%arg0: i32, %arg1: i32, %arg2: memref<10000x128xf32, #tpu.memory_space<hbm>>, %arg3: memref<2x32x125x80xi32, #tpu.memory_space<hbm>>, %arg4: memref<625x128xf32, #tpu.memory_space<hbm>>, %arg5: memref<2x10000x128xf32, #tpu.memory_space<hbm>>, %arg6: memref<125x80xi32, #tpu.memory_space<vmem>>, %arg7: memref<125x80xi32, #tpu.memory_space<vmem>>, %arg8: memref<80x128xf32, #tpu.memory_space<vmem>>, %arg9: memref<80x128xf32, #tpu.memory_space<vmem>>, %arg10: memref<80x128xf32, #tpu.memory_space<vmem>>, %arg11: memref<10000x128xf32, #tpu.memory_space<vmem_shared>>, %arg12: memref<!tpu.dma_semaphore, #tpu.memory_space<semaphore_mem>>, %arg13: memref<!tpu.dma_semaphore, #tpu.memory_space<semaphore_mem>>, %arg14: memref<!tpu.dma_semaphore, #tpu.memory_space<semaphore_mem>>) attributes {dimension_semantics = [#tpu.dimension_semantics<core_parallel>, #tpu.dimension_semantics<subcore_parallel>], iteration_bounds = array<i64: 2, 16>, scalar_prefetch = 0 : i64, scratch_operands = 9 : i64, tpu.core_type = #tpu.core_type<sc_vector_subcore>, window_params = [{transform_indices = #map}, {transform_indices = #map1}, {transform_indices = #map}, {transform_indices = #map2}]} {
    %mul3A = arith.constant 625 : i32
    %mul3A_0 = arith.muli %arg1, %mul3A : i32
    %mul3A_1 = arith.constant 2 : i32
    %mul3A_2 = arith.muli %arg1, %mul3A_1 : i32
    %add3A = arith.addi %mul3A_2, %arg0 : i32
    %run_scoped3A = arith.constant 0 : i32
    "tpu.region"() ({
      %run_scoped3A_84 = tpu.sem_alloc : memref<!tpu.dma_semaphore, #tpu.memory_space<semaphore_mem>>
      %dma_start3A_85 = arith.constant 0 : i32
      %dma_start3A_86 = arith.constant 0 : i32
      %dma_start3A_87 = tpu.memref_slice %arg3[%run_scoped3A, %add3A, %dma_start3A_85, %dma_start3A_86] : memref<2x32x125x80xi32, #tpu.memory_space<hbm>> -> memref<1x1x125x80xi32, #tpu.memory_space<hbm>>
      %dma_start3A_88 = tpu.memref_squeeze %dma_start3A_87 : memref<1x1x125x80xi32, #tpu.memory_space<hbm>> -> memref<125x80xi32, #tpu.memory_space<hbm>>
      %dma_start3A_89 = arith.constant 0 : i32
      %dma_start3A_90 = arith.constant 0 : i32
      %dma_start3A_91 = tpu.memref_slice %arg3[%run_scoped3A, %add3A, %dma_start3A_89, %dma_start3A_90] : memref<2x32x125x80xi32, #tpu.memory_space<hbm>> -> memref<1x1x125x80xi32, #tpu.memory_space<hbm>>
      %dma_start3A_92 = tpu.memref_squeeze %dma_start3A_91 : memref<1x1x125x80xi32, #tpu.memory_space<hbm>> -> memref<125x80xi32, #tpu.memory_space<hbm>>
      tpu.enqueue_dma source(%dma_start3A_92 : memref<125x80xi32, #tpu.memory_space<hbm>>) target(%arg6 : memref<125x80xi32, #tpu.memory_space<vmem>>) target_semaphore(%run_scoped3A_84 : memref<!tpu.dma_semaphore, #tpu.memory_space<semaphore_mem>>)
      %dma_wait3A_93 = arith.constant 0 : i32
      %dma_wait3A_94 = arith.constant 0 : i32
      %dma_wait3A_95 = tpu.memref_slice %arg3[%run_scoped3A, %add3A, %dma_wait3A_93, %dma_wait3A_94] : memref<2x32x125x80xi32, #tpu.memory_space<hbm>> -> memref<1x1x125x80xi32, #tpu.memory_space<hbm>>
      %dma_wait3A_96 = tpu.memref_squeeze %dma_wait3A_95 : memref<1x1x125x80xi32, #tpu.memory_space<hbm>> -> memref<125x80xi32, #tpu.memory_space<hbm>>
      %dma_wait3A_97 = arith.constant 0 : i32
      %dma_wait3A_98 = arith.constant 0 : i32
      %dma_wait3A_99 = tpu.memref_slice %arg3[%run_scoped3A, %add3A, %dma_wait3A_97, %dma_wait3A_98] : memref<2x32x125x80xi32, #tpu.memory_space<hbm>> -> memref<1x1x125x80xi32, #tpu.memory_space<hbm>>
      %dma_wait3A_100 = tpu.memref_squeeze %dma_wait3A_99 : memref<1x1x125x80xi32, #tpu.memory_space<hbm>> -> memref<125x80xi32, #tpu.memory_space<hbm>>
      tpu.wait_dma2 semaphore(%run_scoped3A_84 : memref<!tpu.dma_semaphore, #tpu.memory_space<semaphore_mem>>) src(%dma_wait3A_100 : memref<125x80xi32, #tpu.memory_space<hbm>>) dst(%arg6 : memref<125x80xi32, #tpu.memory_space<vmem>>)
      tpu.yield
    }) : () -> ()
    %run_scoped3A_3 = arith.constant 1 : i32
    "tpu.region"() ({
      %run_scoped3A_84 = tpu.sem_alloc : memref<!tpu.dma_semaphore, #tpu.memory_space<semaphore_mem>>
      %dma_start3A_85 = arith.constant 0 : i32
      %dma_start3A_86 = arith.constant 0 : i32
      %dma_start3A_87 = tpu.memref_slice %arg3[%run_scoped3A_3, %add3A, %dma_start3A_85, %dma_start3A_86] : memref<2x32x125x80xi32, #tpu.memory_space<hbm>> -> memref<1x1x125x80xi32, #tpu.memory_space<hbm>>
      %dma_start3A_88 = tpu.memref_squeeze %dma_start3A_87 : memref<1x1x125x80xi32, #tpu.memory_space<hbm>> -> memref<125x80xi32, #tpu.memory_space<hbm>>
      %dma_start3A_89 = arith.constant 0 : i32
      %dma_start3A_90 = arith.constant 0 : i32
      %dma_start3A_91 = tpu.memref_slice %arg3[%run_scoped3A_3, %add3A, %dma_start3A_89, %dma_start3A_90] : memref<2x32x125x80xi32, #tpu.memory_space<hbm>> -> memref<1x1x125x80xi32, #tpu.memory_space<hbm>>
      %dma_start3A_92 = tpu.memref_squeeze %dma_start3A_91 : memref<1x1x125x80xi32, #tpu.memory_space<hbm>> -> memref<125x80xi32, #tpu.memory_space<hbm>>
      tpu.enqueue_dma source(%dma_start3A_92 : memref<125x80xi32, #tpu.memory_space<hbm>>) target(%arg7 : memref<125x80xi32, #tpu.memory_space<vmem>>) target_semaphore(%run_scoped3A_84 : memref<!tpu.dma_semaphore, #tpu.memory_space<semaphore_mem>>)
      %dma_wait3A_93 = arith.constant 0 : i32
      %dma_wait3A_94 = arith.constant 0 : i32
      %dma_wait3A_95 = tpu.memref_slice %arg3[%run_scoped3A_3, %add3A, %dma_wait3A_93, %dma_wait3A_94] : memref<2x32x125x80xi32, #tpu.memory_space<hbm>> -> memref<1x1x125x80xi32, #tpu.memory_space<hbm>>
      %dma_wait3A_96 = tpu.memref_squeeze %dma_wait3A_95 : memref<1x1x125x80xi32, #tpu.memory_space<hbm>> -> memref<125x80xi32, #tpu.memory_space<hbm>>
      %dma_wait3A_97 = arith.constant 0 : i32
      %dma_wait3A_98 = arith.constant 0 : i32
      %dma_wait3A_99 = tpu.memref_slice %arg3[%run_scoped3A_3, %add3A, %dma_wait3A_97, %dma_wait3A_98] : memref<2x32x125x80xi32, #tpu.memory_space<hbm>> -> memref<1x1x125x80xi32, #tpu.memory_space<hbm>>
      %dma_wait3A_100 = tpu.memref_squeeze %dma_wait3A_99 : memref<1x1x125x80xi32, #tpu.memory_space<hbm>> -> memref<125x80xi32, #tpu.memory_space<hbm>>
      tpu.wait_dma2 semaphore(%run_scoped3A_84 : memref<!tpu.dma_semaphore, #tpu.memory_space<semaphore_mem>>) src(%dma_wait3A_100 : memref<125x80xi32, #tpu.memory_space<hbm>>) dst(%arg7 : memref<125x80xi32, #tpu.memory_space<vmem>>)
      tpu.yield
    }) : () -> ()
    %eq3A = arith.constant 0 : i32
    %eq3A_4 = arith.cmpi eq, %arg0, %eq3A : i32
    %convert_element_type3A = arith.extui %eq3A_4 : i1 to i32
    %cond3A = arith.constant 0 : i32
    %cond3A_5 = arith.cmpi ne, %convert_element_type3A, %cond3A : i32
    scf.if %cond3A_5 {
      "tpu.region"() ({
        %run_scoped3A_84 = tpu.sem_alloc : memref<!tpu.dma_semaphore, #tpu.memory_space<semaphore_mem>>
        %dma_start3A_85 = arith.constant 0 : i32
        %dma_start3A_86 = tpu.memref_slice %arg11[%mul3A_0, %dma_start3A_85] : memref<10000x128xf32, #tpu.memory_space<vmem_shared>> -> memref<625x128xf32, #tpu.memory_space<vmem_shared>>
        %dma_start3A_87 = arith.constant 0 : i32
        %dma_start3A_88 = tpu.memref_slice %arg2[%mul3A_0, %dma_start3A_87] : memref<10000x128xf32, #tpu.memory_space<hbm>> -> memref<625x128xf32, #tpu.memory_space<hbm>>
        tpu.enqueue_dma source(%dma_start3A_88 : memref<625x128xf32, #tpu.memory_space<hbm>>) target(%dma_start3A_86 : memref<625x128xf32, #tpu.memory_space<vmem_shared>>) target_semaphore(%run_scoped3A_84 : memref<!tpu.dma_semaphore, #tpu.memory_space<semaphore_mem>>)
        %dma_wait3A_89 = arith.constant 0 : i32
        %dma_wait3A_90 = tpu.memref_slice %arg11[%mul3A_0, %dma_wait3A_89] : memref<10000x128xf32, #tpu.memory_space<vmem_shared>> -> memref<625x128xf32, #tpu.memory_space<vmem_shared>>
        %dma_wait3A_91 = arith.constant 0 : i32
        %dma_wait3A_92 = tpu.memref_slice %arg2[%mul3A_0, %dma_wait3A_91] : memref<10000x128xf32, #tpu.memory_space<hbm>> -> memref<625x128xf32, #tpu.memory_space<hbm>>
        tpu.wait_dma2 semaphore(%run_scoped3A_84 : memref<!tpu.dma_semaphore, #tpu.memory_space<semaphore_mem>>) src(%dma_wait3A_92 : memref<625x128xf32, #tpu.memory_space<hbm>>) dst(%dma_wait3A_90 : memref<625x128xf32, #tpu.memory_space<vmem_shared>>)
        tpu.yield
      }) : () -> ()
    } else {
    }
    %ne3A = arith.constant 0 : i32
    %ne3A_6 = arith.cmpi ne, %arg0, %ne3A : i32
    %convert_element_type3A_7 = arith.extui %ne3A_6 : i1 to i32
    %cond3A_8 = arith.constant 0 : i32
    %cond3A_9 = arith.cmpi ne, %convert_element_type3A_7, %cond3A_8 : i32
    scf.if %cond3A_9 {
      "tpu.region"() ({
        %run_scoped3A_84 = tpu.sem_alloc : memref<!tpu.dma_semaphore, #tpu.memory_space<semaphore_mem>>
        %dma_start3A_85 = arith.constant 0 : i32
        %dma_start3A_86 = tpu.memref_slice %arg11[%mul3A_0, %dma_start3A_85] : memref<10000x128xf32, #tpu.memory_space<vmem_shared>> -> memref<625x128xf32, #tpu.memory_space<vmem_shared>>
        tpu.enqueue_dma source(%arg4 : memref<625x128xf32, #tpu.memory_space<hbm>>) target(%dma_start3A_86 : memref<625x128xf32, #tpu.memory_space<vmem_shared>>) target_semaphore(%run_scoped3A_84 : memref<!tpu.dma_semaphore, #tpu.memory_space<semaphore_mem>>)
        %dma_wait3A_87 = arith.constant 0 : i32
        %dma_wait3A_88 = tpu.memref_slice %arg11[%mul3A_0, %dma_wait3A_87] : memref<10000x128xf32, #tpu.memory_space<vmem_shared>> -> memref<625x128xf32, #tpu.memory_space<vmem_shared>>
        tpu.wait_dma2 semaphore(%run_scoped3A_84 : memref<!tpu.dma_semaphore, #tpu.memory_space<semaphore_mem>>) src(%arg4 : memref<625x128xf32, #tpu.memory_space<hbm>>) dst(%dma_wait3A_88 : memref<625x128xf32, #tpu.memory_space<vmem_shared>>)
        tpu.yield
      }) : () -> ()
    } else {
    }
    %barrier3A = arith.constant 0 : index
    tpu.barrier barrier_id(%barrier3A)
    %dma_start3A = arith.constant 0 : i32
    %dma_start3A_10 = arith.constant 0 : i32
    %dma_start3A_11 = tpu.memref_slice %arg6[%dma_start3A, %dma_start3A_10] : memref<125x80xi32, #tpu.memory_space<vmem>> -> memref<1x80xi32, #tpu.memory_space<vmem>>
    %dma_start3A_12 = tpu.memref_squeeze %dma_start3A_11 : memref<1x80xi32, #tpu.memory_space<vmem>> -> memref<80xi32, #tpu.memory_space<vmem>>
    %dma_start3A_13 = arith.constant 0 : i32
    %dma_start3A_14 = arith.constant 0 : i32
    %dma_start3A_15 = tpu.memref_slice %arg2[%dma_start3A_13, %dma_start3A_14] : memref<10000x128xf32, #tpu.memory_space<hbm>> -> memref<10000x128xf32, #tpu.memory_space<hbm>>
    tpu.enqueue_indirect_dma source(%dma_start3A_15 : memref<10000x128xf32, #tpu.memory_space<hbm>>) target(%arg8 : memref<80x128xf32, #tpu.memory_space<vmem>>) offsets(%dma_start3A_12 : memref<80xi32, #tpu.memory_space<vmem>>) semaphore(%arg12 : memref<!tpu.dma_semaphore, #tpu.memory_space<semaphore_mem>>)
    %dma_start3A_16 = arith.constant 1 : i32
    %dma_start3A_17 = arith.constant 0 : i32
    %dma_start3A_18 = tpu.memref_slice %arg6[%dma_start3A_16, %dma_start3A_17] : memref<125x80xi32, #tpu.memory_space<vmem>> -> memref<1x80xi32, #tpu.memory_space<vmem>>
    %dma_start3A_19 = tpu.memref_squeeze %dma_start3A_18 : memref<1x80xi32, #tpu.memory_space<vmem>> -> memref<80xi32, #tpu.memory_space<vmem>>
    %dma_start3A_20 = arith.constant 0 : i32
    %dma_start3A_21 = arith.constant 0 : i32
    %dma_start3A_22 = tpu.memref_slice %arg2[%dma_start3A_20, %dma_start3A_21] : memref<10000x128xf32, #tpu.memory_space<hbm>> -> memref<10000x128xf32, #tpu.memory_space<hbm>>
    tpu.enqueue_indirect_dma source(%dma_start3A_22 : memref<10000x128xf32, #tpu.memory_space<hbm>>) target(%arg9 : memref<80x128xf32, #tpu.memory_space<vmem>>) offsets(%dma_start3A_19 : memref<80xi32, #tpu.memory_space<vmem>>) semaphore(%arg13 : memref<!tpu.dma_semaphore, #tpu.memory_space<semaphore_mem>>)
    %dma_start3A_23 = arith.constant 2 : i32
    %dma_start3A_24 = arith.constant 0 : i32
    %dma_start3A_25 = tpu.memref_slice %arg6[%dma_start3A_23, %dma_start3A_24] : memref<125x80xi32, #tpu.memory_space<vmem>> -> memref<1x80xi32, #tpu.memory_space<vmem>>
    %dma_start3A_26 = tpu.memref_squeeze %dma_start3A_25 : memref<1x80xi32, #tpu.memory_space<vmem>> -> memref<80xi32, #tpu.memory_space<vmem>>
    %dma_start3A_27 = arith.constant 0 : i32
    %dma_start3A_28 = arith.constant 0 : i32
    %dma_start3A_29 = tpu.memref_slice %arg2[%dma_start3A_27, %dma_start3A_28] : memref<10000x128xf32, #tpu.memory_space<hbm>> -> memref<10000x128xf32, #tpu.memory_space<hbm>>
    tpu.enqueue_indirect_dma source(%dma_start3A_29 : memref<10000x128xf32, #tpu.memory_space<hbm>>) target(%arg10 : memref<80x128xf32, #tpu.memory_space<vmem>>) offsets(%dma_start3A_26 : memref<80xi32, #tpu.memory_space<vmem>>) semaphore(%arg14 : memref<!tpu.dma_semaphore, #tpu.memory_space<semaphore_mem>>)
    %scan3A = arith.constant 0 : i32
    %scan3A_30 = arith.constant 0 : i32
    %scan3A_31 = arith.constant 40 : i32
    %scan3A_32 = arith.addi %scan3A_30, %scan3A_31 : i32
    %scan3A_33 = arith.constant 1 : i32
    scf.for %scan3A_84 = %scan3A_30 to %scan3A_32 step %scan3A_33  : i32 {
      %mul3A_85 = arith.constant 3 : i32
      %mul3A_86 = arith.muli %mul3A_85, %scan3A_84 : i32
      %dma_wait3A_87 = arith.constant 0 : i32
      %dma_wait3A_88 = arith.constant 0 : i32
      %dma_wait3A_89 = tpu.memref_slice %arg2[%dma_wait3A_87, %dma_wait3A_88] : memref<10000x128xf32, #tpu.memory_space<hbm>> -> memref<80x128xf32, #tpu.memory_space<hbm>>
      %dma_wait3A_90 = arith.constant 0 : i32
      %dma_wait3A_91 = arith.constant 0 : i32
      %dma_wait3A_92 = tpu.memref_slice %arg2[%dma_wait3A_90, %dma_wait3A_91] : memref<10000x128xf32, #tpu.memory_space<hbm>> -> memref<80x128xf32, #tpu.memory_space<hbm>>
      tpu.wait_dma2 semaphore(%arg12 : memref<!tpu.dma_semaphore, #tpu.memory_space<semaphore_mem>>) src(%dma_wait3A_92 : memref<80x128xf32, #tpu.memory_space<hbm>>) dst(%arg8 : memref<80x128xf32, #tpu.memory_space<vmem>>)
      "tpu.region"() ({
        %run_scoped3A_133 = tpu.sem_alloc : memref<!tpu.dma_semaphore, #tpu.memory_space<semaphore_mem>>
        %dma_start3A_134 = arith.constant 0 : i32
        %dma_start3A_135 = tpu.memref_slice %arg7[%mul3A_86, %dma_start3A_134] : memref<125x80xi32, #tpu.memory_space<vmem>> -> memref<1x80xi32, #tpu.memory_space<vmem>>
        %dma_start3A_136 = tpu.memref_squeeze %dma_start3A_135 : memref<1x80xi32, #tpu.memory_space<vmem>> -> memref<80xi32, #tpu.memory_space<vmem>>
        %dma_start3A_137 = arith.constant 0 : i32
        %dma_start3A_138 = arith.constant 0 : i32
        %dma_start3A_139 = tpu.memref_slice %arg11[%dma_start3A_137, %dma_start3A_138] : memref<10000x128xf32, #tpu.memory_space<vmem_shared>> -> memref<10000x128xf32, #tpu.memory_space<vmem_shared>>
        tpu.enqueue_indirect_dma source(%arg8 : memref<80x128xf32, #tpu.memory_space<vmem>>) target(%dma_start3A_139 : memref<10000x128xf32, #tpu.memory_space<vmem_shared>>) offsets(%dma_start3A_136 : memref<80xi32, #tpu.memory_space<vmem>>) semaphore(%run_scoped3A_133 : memref<!tpu.dma_semaphore, #tpu.memory_space<semaphore_mem>>) {add = true}
        %dma_wait3A_140 = arith.constant 0 : i32
        %dma_wait3A_141 = tpu.memref_slice %arg7[%mul3A_86, %dma_wait3A_140] : memref<125x80xi32, #tpu.memory_space<vmem>> -> memref<1x80xi32, #tpu.memory_space<vmem>>
        %dma_wait3A_142 = tpu.memref_squeeze %dma_wait3A_141 : memref<1x80xi32, #tpu.memory_space<vmem>> -> memref<80xi32, #tpu.memory_space<vmem>>
        %dma_wait3A_143 = arith.constant 0 : i32
        %dma_wait3A_144 = arith.constant 0 : i32
        %dma_wait3A_145 = tpu.memref_slice %arg11[%dma_wait3A_143, %dma_wait3A_144] : memref<10000x128xf32, #tpu.memory_space<vmem_shared>> -> memref<10000x128xf32, #tpu.memory_space<vmem_shared>>
        tpu.wait_indirect_dma semaphore(%run_scoped3A_133 : memref<!tpu.dma_semaphore, #tpu.memory_space<semaphore_mem>>) src(%arg8 : memref<80x128xf32, #tpu.memory_space<vmem>>) dst(%dma_wait3A_145 : memref<10000x128xf32, #tpu.memory_space<vmem_shared>>)
        tpu.yield
      }) : () -> ()
      %add3A_93 = arith.constant 3 : i32
      %add3A_94 = arith.addi %mul3A_86, %add3A_93 : i32
      %dma_start3A_95 = arith.constant 0 : i32
      %dma_start3A_96 = tpu.memref_slice %arg6[%add3A_94, %dma_start3A_95] : memref<125x80xi32, #tpu.memory_space<vmem>> -> memref<1x80xi32, #tpu.memory_space<vmem>>
      %dma_start3A_97 = tpu.memref_squeeze %dma_start3A_96 : memref<1x80xi32, #tpu.memory_space<vmem>> -> memref<80xi32, #tpu.memory_space<vmem>>
      %dma_start3A_98 = arith.constant 0 : i32
      %dma_start3A_99 = arith.constant 0 : i32
      %dma_start3A_100 = tpu.memref_slice %arg2[%dma_start3A_98, %dma_start3A_99] : memref<10000x128xf32, #tpu.memory_space<hbm>> -> memref<10000x128xf32, #tpu.memory_space<hbm>>
      tpu.enqueue_indirect_dma source(%dma_start3A_100 : memref<10000x128xf32, #tpu.memory_space<hbm>>) target(%arg8 : memref<80x128xf32, #tpu.memory_space<vmem>>) offsets(%dma_start3A_97 : memref<80xi32, #tpu.memory_space<vmem>>) semaphore(%arg12 : memref<!tpu.dma_semaphore, #tpu.memory_space<semaphore_mem>>)
      %add3A_101 = arith.constant 1 : i32
      %add3A_102 = arith.addi %mul3A_86, %add3A_101 : i32
      %dma_wait3A_103 = arith.constant 0 : i32
      %dma_wait3A_104 = arith.constant 0 : i32
      %dma_wait3A_105 = tpu.memref_slice %arg2[%dma_wait3A_103, %dma_wait3A_104] : memref<10000x128xf32, #tpu.memory_space<hbm>> -> memref<80x128xf32, #tpu.memory_space<hbm>>
      %dma_wait3A_106 = arith.constant 0 : i32
      %dma_wait3A_107 = arith.constant 0 : i32
      %dma_wait3A_108 = tpu.memref_slice %arg2[%dma_wait3A_106, %dma_wait3A_107] : memref<10000x128xf32, #tpu.memory_space<hbm>> -> memref<80x128xf32, #tpu.memory_space<hbm>>
      tpu.wait_dma2 semaphore(%arg13 : memref<!tpu.dma_semaphore, #tpu.memory_space<semaphore_mem>>) src(%dma_wait3A_108 : memref<80x128xf32, #tpu.memory_space<hbm>>) dst(%arg9 : memref<80x128xf32, #tpu.memory_space<vmem>>)
      "tpu.region"() ({
        %run_scoped3A_133 = tpu.sem_alloc : memref<!tpu.dma_semaphore, #tpu.memory_space<semaphore_mem>>
        %dma_start3A_134 = arith.constant 0 : i32
        %dma_start3A_135 = tpu.memref_slice %arg7[%add3A_102, %dma_start3A_134] : memref<125x80xi32, #tpu.memory_space<vmem>> -> memref<1x80xi32, #tpu.memory_space<vmem>>
        %dma_start3A_136 = tpu.memref_squeeze %dma_start3A_135 : memref<1x80xi32, #tpu.memory_space<vmem>> -> memref<80xi32, #tpu.memory_space<vmem>>
        %dma_start3A_137 = arith.constant 0 : i32
        %dma_start3A_138 = arith.constant 0 : i32
        %dma_start3A_139 = tpu.memref_slice %arg11[%dma_start3A_137, %dma_start3A_138] : memref<10000x128xf32, #tpu.memory_space<vmem_shared>> -> memref<10000x128xf32, #tpu.memory_space<vmem_shared>>
        tpu.enqueue_indirect_dma source(%arg9 : memref<80x128xf32, #tpu.memory_space<vmem>>) target(%dma_start3A_139 : memref<10000x128xf32, #tpu.memory_space<vmem_shared>>) offsets(%dma_start3A_136 : memref<80xi32, #tpu.memory_space<vmem>>) semaphore(%run_scoped3A_133 : memref<!tpu.dma_semaphore, #tpu.memory_space<semaphore_mem>>) {add = true}
        %dma_wait3A_140 = arith.constant 0 : i32
        %dma_wait3A_141 = tpu.memref_slice %arg7[%add3A_102, %dma_wait3A_140] : memref<125x80xi32, #tpu.memory_space<vmem>> -> memref<1x80xi32, #tpu.memory_space<vmem>>
        %dma_wait3A_142 = tpu.memref_squeeze %dma_wait3A_141 : memref<1x80xi32, #tpu.memory_space<vmem>> -> memref<80xi32, #tpu.memory_space<vmem>>
        %dma_wait3A_143 = arith.constant 0 : i32
        %dma_wait3A_144 = arith.constant 0 : i32
        %dma_wait3A_145 = tpu.memref_slice %arg11[%dma_wait3A_143, %dma_wait3A_144] : memref<10000x128xf32, #tpu.memory_space<vmem_shared>> -> memref<10000x128xf32, #tpu.memory_space<vmem_shared>>
        tpu.wait_indirect_dma semaphore(%run_scoped3A_133 : memref<!tpu.dma_semaphore, #tpu.memory_space<semaphore_mem>>) src(%arg9 : memref<80x128xf32, #tpu.memory_space<vmem>>) dst(%dma_wait3A_145 : memref<10000x128xf32, #tpu.memory_space<vmem_shared>>)
        tpu.yield
      }) : () -> ()
      %add3A_109 = arith.constant 4 : i32
      %add3A_110 = arith.addi %mul3A_86, %add3A_109 : i32
      %dma_start3A_111 = arith.constant 0 : i32
      %dma_start3A_112 = tpu.memref_slice %arg6[%add3A_110, %dma_start3A_111] : memref<125x80xi32, #tpu.memory_space<vmem>> -> memref<1x80xi32, #tpu.memory_space<vmem>>
      %dma_start3A_113 = tpu.memref_squeeze %dma_start3A_112 : memref<1x80xi32, #tpu.memory_space<vmem>> -> memref<80xi32, #tpu.memory_space<vmem>>
      %dma_start3A_114 = arith.constant 0 : i32
      %dma_start3A_115 = arith.constant 0 : i32
      %dma_start3A_116 = tpu.memref_slice %arg2[%dma_start3A_114, %dma_start3A_115] : memref<10000x128xf32, #tpu.memory_space<hbm>> -> memref<10000x128xf32, #tpu.memory_space<hbm>>
      tpu.enqueue_indirect_dma source(%dma_start3A_116 : memref<10000x128xf32, #tpu.memory_space<hbm>>) target(%arg9 : memref<80x128xf32, #tpu.memory_space<vmem>>) offsets(%dma_start3A_113 : memref<80xi32, #tpu.memory_space<vmem>>) semaphore(%arg13 : memref<!tpu.dma_semaphore, #tpu.memory_space<semaphore_mem>>)
      %add3A_117 = arith.constant 2 : i32
      %add3A_118 = arith.addi %mul3A_86, %add3A_117 : i32
      %dma_wait3A_119 = arith.constant 0 : i32
      %dma_wait3A_120 = arith.constant 0 : i32
      %dma_wait3A_121 = tpu.memref_slice %arg2[%dma_wait3A_119, %dma_wait3A_120] : memref<10000x128xf32, #tpu.memory_space<hbm>> -> memref<80x128xf32, #tpu.memory_space<hbm>>
      %dma_wait3A_122 = arith.constant 0 : i32
      %dma_wait3A_123 = arith.constant 0 : i32
      %dma_wait3A_124 = tpu.memref_slice %arg2[%dma_wait3A_122, %dma_wait3A_123] : memref<10000x128xf32, #tpu.memory_space<hbm>> -> memref<80x128xf32, #tpu.memory_space<hbm>>
      tpu.wait_dma2 semaphore(%arg14 : memref<!tpu.dma_semaphore, #tpu.memory_space<semaphore_mem>>) src(%dma_wait3A_124 : memref<80x128xf32, #tpu.memory_space<hbm>>) dst(%arg10 : memref<80x128xf32, #tpu.memory_space<vmem>>)
      "tpu.region"() ({
        %run_scoped3A_133 = tpu.sem_alloc : memref<!tpu.dma_semaphore, #tpu.memory_space<semaphore_mem>>
        %dma_start3A_134 = arith.constant 0 : i32
        %dma_start3A_135 = tpu.memref_slice %arg7[%add3A_118, %dma_start3A_134] : memref<125x80xi32, #tpu.memory_space<vmem>> -> memref<1x80xi32, #tpu.memory_space<vmem>>
        %dma_start3A_136 = tpu.memref_squeeze %dma_start3A_135 : memref<1x80xi32, #tpu.memory_space<vmem>> -> memref<80xi32, #tpu.memory_space<vmem>>
        %dma_start3A_137 = arith.constant 0 : i32
        %dma_start3A_138 = arith.constant 0 : i32
        %dma_start3A_139 = tpu.memref_slice %arg11[%dma_start3A_137, %dma_start3A_138] : memref<10000x128xf32, #tpu.memory_space<vmem_shared>> -> memref<10000x128xf32, #tpu.memory_space<vmem_shared>>
        tpu.enqueue_indirect_dma source(%arg10 : memref<80x128xf32, #tpu.memory_space<vmem>>) target(%dma_start3A_139 : memref<10000x128xf32, #tpu.memory_space<vmem_shared>>) offsets(%dma_start3A_136 : memref<80xi32, #tpu.memory_space<vmem>>) semaphore(%run_scoped3A_133 : memref<!tpu.dma_semaphore, #tpu.memory_space<semaphore_mem>>) {add = true}
        %dma_wait3A_140 = arith.constant 0 : i32
        %dma_wait3A_141 = tpu.memref_slice %arg7[%add3A_118, %dma_wait3A_140] : memref<125x80xi32, #tpu.memory_space<vmem>> -> memref<1x80xi32, #tpu.memory_space<vmem>>
        %dma_wait3A_142 = tpu.memref_squeeze %dma_wait3A_141 : memref<1x80xi32, #tpu.memory_space<vmem>> -> memref<80xi32, #tpu.memory_space<vmem>>
        %dma_wait3A_143 = arith.constant 0 : i32
        %dma_wait3A_144 = arith.constant 0 : i32
        %dma_wait3A_145 = tpu.memref_slice %arg11[%dma_wait3A_143, %dma_wait3A_144] : memref<10000x128xf32, #tpu.memory_space<vmem_shared>> -> memref<10000x128xf32, #tpu.memory_space<vmem_shared>>
        tpu.wait_indirect_dma semaphore(%run_scoped3A_133 : memref<!tpu.dma_semaphore, #tpu.memory_space<semaphore_mem>>) src(%arg10 : memref<80x128xf32, #tpu.memory_space<vmem>>) dst(%dma_wait3A_145 : memref<10000x128xf32, #tpu.memory_space<vmem_shared>>)
        tpu.yield
      }) : () -> ()
      %add3A_125 = arith.constant 5 : i32
      %add3A_126 = arith.addi %mul3A_86, %add3A_125 : i32
      %dma_start3A_127 = arith.constant 0 : i32
      %dma_start3A_128 = tpu.memref_slice %arg6[%add3A_126, %dma_start3A_127] : memref<125x80xi32, #tpu.memory_space<vmem>> -> memref<1x80xi32, #tpu.memory_space<vmem>>
      %dma_start3A_129 = tpu.memref_squeeze %dma_start3A_128 : memref<1x80xi32, #tpu.memory_space<vmem>> -> memref<80xi32, #tpu.memory_space<vmem>>
      %dma_start3A_130 = arith.constant 0 : i32
      %dma_start3A_131 = arith.constant 0 : i32
      %dma_start3A_132 = tpu.memref_slice %arg2[%dma_start3A_130, %dma_start3A_131] : memref<10000x128xf32, #tpu.memory_space<hbm>> -> memref<10000x128xf32, #tpu.memory_space<hbm>>
      tpu.enqueue_indirect_dma source(%dma_start3A_132 : memref<10000x128xf32, #tpu.memory_space<hbm>>) target(%arg10 : memref<80x128xf32, #tpu.memory_space<vmem>>) offsets(%dma_start3A_129 : memref<80xi32, #tpu.memory_space<vmem>>) semaphore(%arg14 : memref<!tpu.dma_semaphore, #tpu.memory_space<semaphore_mem>>)
    }
    %scan3A_34 = arith.constant 40 : i32
    %dma_wait3A = arith.constant 0 : i32
    %dma_wait3A_35 = arith.constant 0 : i32
    %dma_wait3A_36 = tpu.memref_slice %arg2[%dma_wait3A, %dma_wait3A_35] : memref<10000x128xf32, #tpu.memory_space<hbm>> -> memref<80x128xf32, #tpu.memory_space<hbm>>
    %dma_wait3A_37 = arith.constant 0 : i32
    %dma_wait3A_38 = arith.constant 0 : i32
    %dma_wait3A_39 = tpu.memref_slice %arg2[%dma_wait3A_37, %dma_wait3A_38] : memref<10000x128xf32, #tpu.memory_space<hbm>> -> memref<80x128xf32, #tpu.memory_space<hbm>>
    tpu.wait_dma2 semaphore(%arg12 : memref<!tpu.dma_semaphore, #tpu.memory_space<semaphore_mem>>) src(%dma_wait3A_39 : memref<80x128xf32, #tpu.memory_space<hbm>>) dst(%arg8 : memref<80x128xf32, #tpu.memory_space<vmem>>)
    %run_scoped3A_40 = arith.constant 120 : i32
    "tpu.region"() ({
      %run_scoped3A_84 = tpu.sem_alloc : memref<!tpu.dma_semaphore, #tpu.memory_space<semaphore_mem>>
      %dma_start3A_85 = arith.constant 0 : i32
      %dma_start3A_86 = tpu.memref_slice %arg7[%run_scoped3A_40, %dma_start3A_85] : memref<125x80xi32, #tpu.memory_space<vmem>> -> memref<1x80xi32, #tpu.memory_space<vmem>>
      %dma_start3A_87 = tpu.memref_squeeze %dma_start3A_86 : memref<1x80xi32, #tpu.memory_space<vmem>> -> memref<80xi32, #tpu.memory_space<vmem>>
      %dma_start3A_88 = arith.constant 0 : i32
      %dma_start3A_89 = arith.constant 0 : i32
      %dma_start3A_90 = tpu.memref_slice %arg11[%dma_start3A_88, %dma_start3A_89] : memref<10000x128xf32, #tpu.memory_space<vmem_shared>> -> memref<10000x128xf32, #tpu.memory_space<vmem_shared>>
      tpu.enqueue_indirect_dma source(%arg8 : memref<80x128xf32, #tpu.memory_space<vmem>>) target(%dma_start3A_90 : memref<10000x128xf32, #tpu.memory_space<vmem_shared>>) offsets(%dma_start3A_87 : memref<80xi32, #tpu.memory_space<vmem>>) semaphore(%run_scoped3A_84 : memref<!tpu.dma_semaphore, #tpu.memory_space<semaphore_mem>>) {add = true}
      %dma_wait3A_91 = arith.constant 0 : i32
      %dma_wait3A_92 = tpu.memref_slice %arg7[%run_scoped3A_40, %dma_wait3A_91] : memref<125x80xi32, #tpu.memory_space<vmem>> -> memref<1x80xi32, #tpu.memory_space<vmem>>
      %dma_wait3A_93 = tpu.memref_squeeze %dma_wait3A_92 : memref<1x80xi32, #tpu.memory_space<vmem>> -> memref<80xi32, #tpu.memory_space<vmem>>
      %dma_wait3A_94 = arith.constant 0 : i32
      %dma_wait3A_95 = arith.constant 0 : i32
      %dma_wait3A_96 = tpu.memref_slice %arg11[%dma_wait3A_94, %dma_wait3A_95] : memref<10000x128xf32, #tpu.memory_space<vmem_shared>> -> memref<10000x128xf32, #tpu.memory_space<vmem_shared>>
      tpu.wait_indirect_dma semaphore(%run_scoped3A_84 : memref<!tpu.dma_semaphore, #tpu.memory_space<semaphore_mem>>) src(%arg8 : memref<80x128xf32, #tpu.memory_space<vmem>>) dst(%dma_wait3A_96 : memref<10000x128xf32, #tpu.memory_space<vmem_shared>>)
      tpu.yield
    }) : () -> ()
    %dma_start3A_41 = arith.constant 123 : i32
    %dma_start3A_42 = arith.constant 0 : i32
    %dma_start3A_43 = tpu.memref_slice %arg6[%dma_start3A_41, %dma_start3A_42] : memref<125x80xi32, #tpu.memory_space<vmem>> -> memref<1x80xi32, #tpu.memory_space<vmem>>
    %dma_start3A_44 = tpu.memref_squeeze %dma_start3A_43 : memref<1x80xi32, #tpu.memory_space<vmem>> -> memref<80xi32, #tpu.memory_space<vmem>>
    %dma_start3A_45 = arith.constant 0 : i32
    %dma_start3A_46 = arith.constant 0 : i32
    %dma_start3A_47 = tpu.memref_slice %arg2[%dma_start3A_45, %dma_start3A_46] : memref<10000x128xf32, #tpu.memory_space<hbm>> -> memref<10000x128xf32, #tpu.memory_space<hbm>>
    tpu.enqueue_indirect_dma source(%dma_start3A_47 : memref<10000x128xf32, #tpu.memory_space<hbm>>) target(%arg8 : memref<80x128xf32, #tpu.memory_space<vmem>>) offsets(%dma_start3A_44 : memref<80xi32, #tpu.memory_space<vmem>>) semaphore(%arg12 : memref<!tpu.dma_semaphore, #tpu.memory_space<semaphore_mem>>)
    %dma_wait3A_48 = arith.constant 0 : i32
    %dma_wait3A_49 = arith.constant 0 : i32
    %dma_wait3A_50 = tpu.memref_slice %arg2[%dma_wait3A_48, %dma_wait3A_49] : memref<10000x128xf32, #tpu.memory_space<hbm>> -> memref<80x128xf32, #tpu.memory_space<hbm>>
    %dma_wait3A_51 = arith.constant 0 : i32
    %dma_wait3A_52 = arith.constant 0 : i32
    %dma_wait3A_53 = tpu.memref_slice %arg2[%dma_wait3A_51, %dma_wait3A_52] : memref<10000x128xf32, #tpu.memory_space<hbm>> -> memref<80x128xf32, #tpu.memory_space<hbm>>
    tpu.wait_dma2 semaphore(%arg13 : memref<!tpu.dma_semaphore, #tpu.memory_space<semaphore_mem>>) src(%dma_wait3A_53 : memref<80x128xf32, #tpu.memory_space<hbm>>) dst(%arg9 : memref<80x128xf32, #tpu.memory_space<vmem>>)
    %run_scoped3A_54 = arith.constant 121 : i32
    "tpu.region"() ({
      %run_scoped3A_84 = tpu.sem_alloc : memref<!tpu.dma_semaphore, #tpu.memory_space<semaphore_mem>>
      %dma_start3A_85 = arith.constant 0 : i32
      %dma_start3A_86 = tpu.memref_slice %arg7[%run_scoped3A_54, %dma_start3A_85] : memref<125x80xi32, #tpu.memory_space<vmem>> -> memref<1x80xi32, #tpu.memory_space<vmem>>
      %dma_start3A_87 = tpu.memref_squeeze %dma_start3A_86 : memref<1x80xi32, #tpu.memory_space<vmem>> -> memref<80xi32, #tpu.memory_space<vmem>>
      %dma_start3A_88 = arith.constant 0 : i32
      %dma_start3A_89 = arith.constant 0 : i32
      %dma_start3A_90 = tpu.memref_slice %arg11[%dma_start3A_88, %dma_start3A_89] : memref<10000x128xf32, #tpu.memory_space<vmem_shared>> -> memref<10000x128xf32, #tpu.memory_space<vmem_shared>>
      tpu.enqueue_indirect_dma source(%arg9 : memref<80x128xf32, #tpu.memory_space<vmem>>) target(%dma_start3A_90 : memref<10000x128xf32, #tpu.memory_space<vmem_shared>>) offsets(%dma_start3A_87 : memref<80xi32, #tpu.memory_space<vmem>>) semaphore(%run_scoped3A_84 : memref<!tpu.dma_semaphore, #tpu.memory_space<semaphore_mem>>) {add = true}
      %dma_wait3A_91 = arith.constant 0 : i32
      %dma_wait3A_92 = tpu.memref_slice %arg7[%run_scoped3A_54, %dma_wait3A_91] : memref<125x80xi32, #tpu.memory_space<vmem>> -> memref<1x80xi32, #tpu.memory_space<vmem>>
      %dma_wait3A_93 = tpu.memref_squeeze %dma_wait3A_92 : memref<1x80xi32, #tpu.memory_space<vmem>> -> memref<80xi32, #tpu.memory_space<vmem>>
      %dma_wait3A_94 = arith.constant 0 : i32
      %dma_wait3A_95 = arith.constant 0 : i32
      %dma_wait3A_96 = tpu.memref_slice %arg11[%dma_wait3A_94, %dma_wait3A_95] : memref<10000x128xf32, #tpu.memory_space<vmem_shared>> -> memref<10000x128xf32, #tpu.memory_space<vmem_shared>>
      tpu.wait_indirect_dma semaphore(%run_scoped3A_84 : memref<!tpu.dma_semaphore, #tpu.memory_space<semaphore_mem>>) src(%arg9 : memref<80x128xf32, #tpu.memory_space<vmem>>) dst(%dma_wait3A_96 : memref<10000x128xf32, #tpu.memory_space<vmem_shared>>)
      tpu.yield
    }) : () -> ()
    %dma_start3A_55 = arith.constant 124 : i32
    %dma_start3A_56 = arith.constant 0 : i32
    %dma_start3A_57 = tpu.memref_slice %arg6[%dma_start3A_55, %dma_start3A_56] : memref<125x80xi32, #tpu.memory_space<vmem>> -> memref<1x80xi32, #tpu.memory_space<vmem>>
    %dma_start3A_58 = tpu.memref_squeeze %dma_start3A_57 : memref<1x80xi32, #tpu.memory_space<vmem>> -> memref<80xi32, #tpu.memory_space<vmem>>
    %dma_start3A_59 = arith.constant 0 : i32
    %dma_start3A_60 = arith.constant 0 : i32
    %dma_start3A_61 = tpu.memref_slice %arg2[%dma_start3A_59, %dma_start3A_60] : memref<10000x128xf32, #tpu.memory_space<hbm>> -> memref<10000x128xf32, #tpu.memory_space<hbm>>
    tpu.enqueue_indirect_dma source(%dma_start3A_61 : memref<10000x128xf32, #tpu.memory_space<hbm>>) target(%arg9 : memref<80x128xf32, #tpu.memory_space<vmem>>) offsets(%dma_start3A_58 : memref<80xi32, #tpu.memory_space<vmem>>) semaphore(%arg13 : memref<!tpu.dma_semaphore, #tpu.memory_space<semaphore_mem>>)
    %dma_wait3A_62 = arith.constant 0 : i32
    %dma_wait3A_63 = arith.constant 0 : i32
    %dma_wait3A_64 = tpu.memref_slice %arg2[%dma_wait3A_62, %dma_wait3A_63] : memref<10000x128xf32, #tpu.memory_space<hbm>> -> memref<80x128xf32, #tpu.memory_space<hbm>>
    %dma_wait3A_65 = arith.constant 0 : i32
    %dma_wait3A_66 = arith.constant 0 : i32
    %dma_wait3A_67 = tpu.memref_slice %arg2[%dma_wait3A_65, %dma_wait3A_66] : memref<10000x128xf32, #tpu.memory_space<hbm>> -> memref<80x128xf32, #tpu.memory_space<hbm>>
    tpu.wait_dma2 semaphore(%arg14 : memref<!tpu.dma_semaphore, #tpu.memory_space<semaphore_mem>>) src(%dma_wait3A_67 : memref<80x128xf32, #tpu.memory_space<hbm>>) dst(%arg10 : memref<80x128xf32, #tpu.memory_space<vmem>>)
    %run_scoped3A_68 = arith.constant 122 : i32
    "tpu.region"() ({
      %run_scoped3A_84 = tpu.sem_alloc : memref<!tpu.dma_semaphore, #tpu.memory_space<semaphore_mem>>
      %dma_start3A_85 = arith.constant 0 : i32
      %dma_start3A_86 = tpu.memref_slice %arg7[%run_scoped3A_68, %dma_start3A_85] : memref<125x80xi32, #tpu.memory_space<vmem>> -> memref<1x80xi32, #tpu.memory_space<vmem>>
      %dma_start3A_87 = tpu.memref_squeeze %dma_start3A_86 : memref<1x80xi32, #tpu.memory_space<vmem>> -> memref<80xi32, #tpu.memory_space<vmem>>
      %dma_start3A_88 = arith.constant 0 : i32
      %dma_start3A_89 = arith.constant 0 : i32
      %dma_start3A_90 = tpu.memref_slice %arg11[%dma_start3A_88, %dma_start3A_89] : memref<10000x128xf32, #tpu.memory_space<vmem_shared>> -> memref<10000x128xf32, #tpu.memory_space<vmem_shared>>
      tpu.enqueue_indirect_dma source(%arg10 : memref<80x128xf32, #tpu.memory_space<vmem>>) target(%dma_start3A_90 : memref<10000x128xf32, #tpu.memory_space<vmem_shared>>) offsets(%dma_start3A_87 : memref<80xi32, #tpu.memory_space<vmem>>) semaphore(%run_scoped3A_84 : memref<!tpu.dma_semaphore, #tpu.memory_space<semaphore_mem>>) {add = true}
      %dma_wait3A_91 = arith.constant 0 : i32
      %dma_wait3A_92 = tpu.memref_slice %arg7[%run_scoped3A_68, %dma_wait3A_91] : memref<125x80xi32, #tpu.memory_space<vmem>> -> memref<1x80xi32, #tpu.memory_space<vmem>>
      %dma_wait3A_93 = tpu.memref_squeeze %dma_wait3A_92 : memref<1x80xi32, #tpu.memory_space<vmem>> -> memref<80xi32, #tpu.memory_space<vmem>>
      %dma_wait3A_94 = arith.constant 0 : i32
      %dma_wait3A_95 = arith.constant 0 : i32
      %dma_wait3A_96 = tpu.memref_slice %arg11[%dma_wait3A_94, %dma_wait3A_95] : memref<10000x128xf32, #tpu.memory_space<vmem_shared>> -> memref<10000x128xf32, #tpu.memory_space<vmem_shared>>
      tpu.wait_indirect_dma semaphore(%run_scoped3A_84 : memref<!tpu.dma_semaphore, #tpu.memory_space<semaphore_mem>>) src(%arg10 : memref<80x128xf32, #tpu.memory_space<vmem>>) dst(%dma_wait3A_96 : memref<10000x128xf32, #tpu.memory_space<vmem_shared>>)
      tpu.yield
    }) : () -> ()
    %dma_wait3A_69 = arith.constant 0 : i32
    %dma_wait3A_70 = arith.constant 0 : i32
    %dma_wait3A_71 = tpu.memref_slice %arg2[%dma_wait3A_69, %dma_wait3A_70] : memref<10000x128xf32, #tpu.memory_space<hbm>> -> memref<80x128xf32, #tpu.memory_space<hbm>>
    %dma_wait3A_72 = arith.constant 0 : i32
    %dma_wait3A_73 = arith.constant 0 : i32
    %dma_wait3A_74 = tpu.memref_slice %arg2[%dma_wait3A_72, %dma_wait3A_73] : memref<10000x128xf32, #tpu.memory_space<hbm>> -> memref<80x128xf32, #tpu.memory_space<hbm>>
    tpu.wait_dma2 semaphore(%arg12 : memref<!tpu.dma_semaphore, #tpu.memory_space<semaphore_mem>>) src(%dma_wait3A_74 : memref<80x128xf32, #tpu.memory_space<hbm>>) dst(%arg8 : memref<80x128xf32, #tpu.memory_space<vmem>>)
    %run_scoped3A_75 = arith.constant 123 : i32
    "tpu.region"() ({
      %run_scoped3A_84 = tpu.sem_alloc : memref<!tpu.dma_semaphore, #tpu.memory_space<semaphore_mem>>
      %dma_start3A_85 = arith.constant 0 : i32
      %dma_start3A_86 = tpu.memref_slice %arg7[%run_scoped3A_75, %dma_start3A_85] : memref<125x80xi32, #tpu.memory_space<vmem>> -> memref<1x80xi32, #tpu.memory_space<vmem>>
      %dma_start3A_87 = tpu.memref_squeeze %dma_start3A_86 : memref<1x80xi32, #tpu.memory_space<vmem>> -> memref<80xi32, #tpu.memory_space<vmem>>
      %dma_start3A_88 = arith.constant 0 : i32
      %dma_start3A_89 = arith.constant 0 : i32
      %dma_start3A_90 = tpu.memref_slice %arg11[%dma_start3A_88, %dma_start3A_89] : memref<10000x128xf32, #tpu.memory_space<vmem_shared>> -> memref<10000x128xf32, #tpu.memory_space<vmem_shared>>
      tpu.enqueue_indirect_dma source(%arg8 : memref<80x128xf32, #tpu.memory_space<vmem>>) target(%dma_start3A_90 : memref<10000x128xf32, #tpu.memory_space<vmem_shared>>) offsets(%dma_start3A_87 : memref<80xi32, #tpu.memory_space<vmem>>) semaphore(%run_scoped3A_84 : memref<!tpu.dma_semaphore, #tpu.memory_space<semaphore_mem>>) {add = true}
      %dma_wait3A_91 = arith.constant 0 : i32
      %dma_wait3A_92 = tpu.memref_slice %arg7[%run_scoped3A_75, %dma_wait3A_91] : memref<125x80xi32, #tpu.memory_space<vmem>> -> memref<1x80xi32, #tpu.memory_space<vmem>>
      %dma_wait3A_93 = tpu.memref_squeeze %dma_wait3A_92 : memref<1x80xi32, #tpu.memory_space<vmem>> -> memref<80xi32, #tpu.memory_space<vmem>>
      %dma_wait3A_94 = arith.constant 0 : i32
      %dma_wait3A_95 = arith.constant 0 : i32
      %dma_wait3A_96 = tpu.memref_slice %arg11[%dma_wait3A_94, %dma_wait3A_95] : memref<10000x128xf32, #tpu.memory_space<vmem_shared>> -> memref<10000x128xf32, #tpu.memory_space<vmem_shared>>
      tpu.wait_indirect_dma semaphore(%run_scoped3A_84 : memref<!tpu.dma_semaphore, #tpu.memory_space<semaphore_mem>>) src(%arg8 : memref<80x128xf32, #tpu.memory_space<vmem>>) dst(%dma_wait3A_96 : memref<10000x128xf32, #tpu.memory_space<vmem_shared>>)
      tpu.yield
    }) : () -> ()
    %dma_wait3A_76 = arith.constant 0 : i32
    %dma_wait3A_77 = arith.constant 0 : i32
    %dma_wait3A_78 = tpu.memref_slice %arg2[%dma_wait3A_76, %dma_wait3A_77] : memref<10000x128xf32, #tpu.memory_space<hbm>> -> memref<80x128xf32, #tpu.memory_space<hbm>>
    %dma_wait3A_79 = arith.constant 0 : i32
    %dma_wait3A_80 = arith.constant 0 : i32
    %dma_wait3A_81 = tpu.memref_slice %arg2[%dma_wait3A_79, %dma_wait3A_80] : memref<10000x128xf32, #tpu.memory_space<hbm>> -> memref<80x128xf32, #tpu.memory_space<hbm>>
    tpu.wait_dma2 semaphore(%arg13 : memref<!tpu.dma_semaphore, #tpu.memory_space<semaphore_mem>>) src(%dma_wait3A_81 : memref<80x128xf32, #tpu.memory_space<hbm>>) dst(%arg9 : memref<80x128xf32, #tpu.memory_space<vmem>>)
    %run_scoped3A_82 = arith.constant 124 : i32
    "tpu.region"() ({
      %run_scoped3A_84 = tpu.sem_alloc : memref<!tpu.dma_semaphore, #tpu.memory_space<semaphore_mem>>
      %dma_start3A_85 = arith.constant 0 : i32
      %dma_start3A_86 = tpu.memref_slice %arg7[%run_scoped3A_82, %dma_start3A_85] : memref<125x80xi32, #tpu.memory_space<vmem>> -> memref<1x80xi32, #tpu.memory_space<vmem>>
      %dma_start3A_87 = tpu.memref_squeeze %dma_start3A_86 : memref<1x80xi32, #tpu.memory_space<vmem>> -> memref<80xi32, #tpu.memory_space<vmem>>
      %dma_start3A_88 = arith.constant 0 : i32
      %dma_start3A_89 = arith.constant 0 : i32
      %dma_start3A_90 = tpu.memref_slice %arg11[%dma_start3A_88, %dma_start3A_89] : memref<10000x128xf32, #tpu.memory_space<vmem_shared>> -> memref<10000x128xf32, #tpu.memory_space<vmem_shared>>
      tpu.enqueue_indirect_dma source(%arg9 : memref<80x128xf32, #tpu.memory_space<vmem>>) target(%dma_start3A_90 : memref<10000x128xf32, #tpu.memory_space<vmem_shared>>) offsets(%dma_start3A_87 : memref<80xi32, #tpu.memory_space<vmem>>) semaphore(%run_scoped3A_84 : memref<!tpu.dma_semaphore, #tpu.memory_space<semaphore_mem>>) {add = true}
      %dma_wait3A_91 = arith.constant 0 : i32
      %dma_wait3A_92 = tpu.memref_slice %arg7[%run_scoped3A_82, %dma_wait3A_91] : memref<125x80xi32, #tpu.memory_space<vmem>> -> memref<1x80xi32, #tpu.memory_space<vmem>>
      %dma_wait3A_93 = tpu.memref_squeeze %dma_wait3A_92 : memref<1x80xi32, #tpu.memory_space<vmem>> -> memref<80xi32, #tpu.memory_space<vmem>>
      %dma_wait3A_94 = arith.constant 0 : i32
      %dma_wait3A_95 = arith.constant 0 : i32
      %dma_wait3A_96 = tpu.memref_slice %arg11[%dma_wait3A_94, %dma_wait3A_95] : memref<10000x128xf32, #tpu.memory_space<vmem_shared>> -> memref<10000x128xf32, #tpu.memory_space<vmem_shared>>
      tpu.wait_indirect_dma semaphore(%run_scoped3A_84 : memref<!tpu.dma_semaphore, #tpu.memory_space<semaphore_mem>>) src(%arg9 : memref<80x128xf32, #tpu.memory_space<vmem>>) dst(%dma_wait3A_96 : memref<10000x128xf32, #tpu.memory_space<vmem_shared>>)
      tpu.yield
    }) : () -> ()
    %barrier3A_83 = arith.constant 0 : index
    tpu.barrier barrier_id(%barrier3A_83)
    "tpu.region"() ({
      %run_scoped3A_84 = tpu.sem_alloc : memref<!tpu.dma_semaphore, #tpu.memory_space<semaphore_mem>>
      %dma_start3A_85 = arith.constant 0 : i32
      %dma_start3A_86 = tpu.memref_slice %arg5[%arg0, %mul3A_0, %dma_start3A_85] : memref<2x10000x128xf32, #tpu.memory_space<hbm>> -> memref<1x625x128xf32, #tpu.memory_space<hbm>>
      %dma_start3A_87 = tpu.memref_squeeze %dma_start3A_86 : memref<1x625x128xf32, #tpu.memory_space<hbm>> -> memref<625x128xf32, #tpu.memory_space<hbm>>
      %dma_start3A_88 = arith.constant 0 : i32
      %dma_start3A_89 = tpu.memref_slice %arg11[%mul3A_0, %dma_start3A_88] : memref<10000x128xf32, #tpu.memory_space<vmem_shared>> -> memref<625x128xf32, #tpu.memory_space<vmem_shared>>
      tpu.enqueue_dma source(%dma_start3A_89 : memref<625x128xf32, #tpu.memory_space<vmem_shared>>) target(%dma_start3A_87 : memref<625x128xf32, #tpu.memory_space<hbm>>) target_semaphore(%run_scoped3A_84 : memref<!tpu.dma_semaphore, #tpu.memory_space<semaphore_mem>>)
      %dma_wait3A_90 = arith.constant 0 : i32
      %dma_wait3A_91 = tpu.memref_slice %arg5[%arg0, %mul3A_0, %dma_wait3A_90] : memref<2x10000x128xf32, #tpu.memory_space<hbm>> -> memref<1x625x128xf32, #tpu.memory_space<hbm>>
      %dma_wait3A_92 = tpu.memref_squeeze %dma_wait3A_91 : memref<1x625x128xf32, #tpu.memory_space<hbm>> -> memref<625x128xf32, #tpu.memory_space<hbm>>
      %dma_wait3A_93 = arith.constant 0 : i32
      %dma_wait3A_94 = tpu.memref_slice %arg11[%mul3A_0, %dma_wait3A_93] : memref<10000x128xf32, #tpu.memory_space<vmem_shared>> -> memref<625x128xf32, #tpu.memory_space<vmem_shared>>
      tpu.wait_dma2 semaphore(%run_scoped3A_84 : memref<!tpu.dma_semaphore, #tpu.memory_space<semaphore_mem>>) src(%dma_wait3A_94 : memref<625x128xf32, #tpu.memory_space<vmem_shared>>) dst(%dma_wait3A_92 : memref<625x128xf32, #tpu.memory_space<hbm>>)
      tpu.yield
    }) : () -> ()
    return
  }
}

module attributes {stable_mosaic.version = 14 : i64} {
  func.func @_mm1_body(%arg0: i32, %arg1: memref<5000x128xf32, #tpu.memory_space<vmem>>, %arg2: memref<128x128xf32, #tpu.memory_space<vmem>>, %arg3: memref<2x5000x16xf32, #tpu.memory_space<vmem>>, %arg4: memref<5000x128xf32, #tpu.memory_space<vmem>>, %arg5: memref<5000x16xf32, #tpu.memory_space<vmem>>) attributes {dimension_semantics = [#tpu.dimension_semantics<arbitrary>], iteration_bounds = array<i64: 2>, scalar_prefetch = 0 : i64, scratch_operands = 0 : i64, tpu.core_type = #tpu.core_type<tc>, window_params = [{transform_indices = @transform_0, window_bounds = array<i64: 5000, 128>}, {pipeline_mode = #tpu.pipeline_mode<synchronous>, transform_indices = @transform_1, window_bounds = array<i64: 128, 128>}, {transform_indices = @transform_2, window_bounds = array<i64: 2, 5000, 16>}, {transform_indices = @transform_3, window_bounds = array<i64: 5000, 128>}, {transform_indices = @transform_4, window_bounds = array<i64: 5000, 16>}]} {
    %get3A = arith.constant 0 : index
    %get3A_0 = arith.constant 0 : index
    %get3A_1 = arith.constant 0 : index
    %get3A_2 = vector.load %arg3[%get3A, %get3A_0, %get3A_1] : memref<2x5000x16xf32, #tpu.memory_space<vmem>>, vector<1x5000x16xf32>
    %get3A_3 = vector.shape_cast %get3A_2 : vector<1x5000x16xf32> to vector<5000x16xf32>
    %get3A_4 = arith.constant 1 : index
    %get3A_5 = arith.constant 0 : index
    %get3A_6 = arith.constant 0 : index
    %get3A_7 = vector.load %arg3[%get3A_4, %get3A_5, %get3A_6] : memref<2x5000x16xf32, #tpu.memory_space<vmem>>, vector<1x5000x16xf32>
    %get3A_8 = vector.shape_cast %get3A_7 : vector<1x5000x16xf32> to vector<5000x16xf32>
    %add3A = arith.addf %get3A_3, %get3A_8 : vector<5000x16xf32>
    %rsqrt3A = math.rsqrt %add3A : vector<5000x16xf32>
    %swap3A = arith.constant 0 : index
    %swap3A_9 = arith.constant 0 : index
    %swap3A_10 = vector.load %arg5[%swap3A, %swap3A_9] : memref<5000x16xf32, #tpu.memory_space<vmem>>, vector<5000x16xf32>
    tpu.vector_store %arg5[%swap3A, %swap3A_9], %rsqrt3A {strides = array<i32>} : memref<5000x16xf32, #tpu.memory_space<vmem>>, vector<5000x16xf32>,
    %get3A_11 = arith.constant 0 : index
    %get3A_12 = arith.constant 0 : index
    %get3A_13 = vector.load %arg1[%get3A_11, %get3A_12] : memref<5000x128xf32, #tpu.memory_space<vmem>>, vector<5000x128xf32>
    %get3A_14 = arith.constant 0 : index
    %get3A_15 = arith.constant 0 : index
    %get3A_16 = vector.load %arg2[%get3A_14, %get3A_15] : memref<128x128xf32, #tpu.memory_space<vmem>>, vector<128x128xf32>
    %dot_general3A = arith.constant dense<0.000000e+00> : vector<5000x128xf32>
    %dot_general3A_17 = tpu.matmul %get3A_13, %get3A_16, %dot_general3A {dimension_numbers = #tpu.dot_dimension_numbers<[1], [0], [0], [1], [0, 0, 1, 1], [], []>, transpose_lhs_hint = false} : vector<5000x128xf32>, vector<128x128xf32>, vector<5000x128xf32> -> vector<5000x128xf32>
    %slice3A = vector.extract_strided_slice %rsqrt3A {offsets = [0, 0], sizes = [5000, 1], strides = [1, 1]} : vector<5000x16xf32> to vector<5000x1xf32>
    %mul3A = vector.broadcast %slice3A : vector<5000x1xf32> to vector<5000x128xf32>
    %mul3A_18 = arith.mulf %dot_general3A_17, %mul3A : vector<5000x128xf32>
    %swap3A_19 = arith.constant 0 : index
    %swap3A_20 = arith.constant 0 : index
    %swap3A_21 = vector.load %arg4[%swap3A_19, %swap3A_20] : memref<5000x128xf32, #tpu.memory_space<vmem>>, vector<5000x128xf32>
    tpu.vector_store %arg4[%swap3A_19, %swap3A_20], %mul3A_18 {strides = array<i32>} : memref<5000x128xf32, #tpu.memory_space<vmem>>, vector<5000x128xf32>,
    return
  }
  func.func @transform_0(%arg0: i32) -> (i32, i32) {
    %c0_i32 = arith.constant 0 : i32
    %c0_i32_0 = arith.constant 0 : i32
    return %arg0, %c0_i32 : i32, i32
  }
  func.func @transform_1(%arg0: i32) -> (i32, i32) {
    %c0_i32 = arith.constant 0 : i32
    %c0_i32_0 = arith.constant 0 : i32
    %c0_i32_1 = arith.constant 0 : i32
    return %c0_i32, %c0_i32_0 : i32, i32
  }
  func.func @transform_2(%arg0: i32) -> (i32, i32, i32) {
    %c0_i32 = arith.constant 0 : i32
    %c0_i32_0 = arith.constant 0 : i32
    %c0_i32_1 = arith.constant 0 : i32
    return %c0_i32, %arg0, %c0_i32_0 : i32, i32, i32
  }
  func.func @transform_3(%arg0: i32) -> (i32, i32) {
    %c0_i32 = arith.constant 0 : i32
    %c0_i32_0 = arith.constant 0 : i32
    return %arg0, %c0_i32 : i32, i32
  }
  func.func @transform_4(%arg0: i32) -> (i32, i32) {
    %c0_i32 = arith.constant 0 : i32
    %c0_i32_0 = arith.constant 0 : i32
    return %arg0, %c0_i32 : i32, i32
  }
}

module attributes {stable_mosaic.version = 14 : i64} {
  func.func @_mm2_body(%arg0: i32, %arg1: memref<2x5000x128xf32, #tpu.memory_space<vmem>>, %arg2: memref<5000x16xf32, #tpu.memory_space<vmem>>, %arg3: memref<1x128xf32, #tpu.memory_space<vmem>>, %arg4: memref<128x128xf32, #tpu.memory_space<vmem>>, %arg5: memref<5000x128xf32, #tpu.memory_space<vmem>>) attributes {dimension_semantics = [#tpu.dimension_semantics<arbitrary>], iteration_bounds = array<i64: 2>, scalar_prefetch = 0 : i64, scratch_operands = 0 : i64, tpu.core_type = #tpu.core_type<tc>, window_params = [{transform_indices = @transform_0, window_bounds = array<i64: 2, 5000, 128>}, {transform_indices = @transform_1, window_bounds = array<i64: 5000, 16>}, {pipeline_mode = #tpu.pipeline_mode<synchronous>, transform_indices = @transform_2, window_bounds = array<i64: 1, 128>}, {pipeline_mode = #tpu.pipeline_mode<synchronous>, transform_indices = @transform_3, window_bounds = array<i64: 128, 128>}, {transform_indices = @transform_4, window_bounds = array<i64: 5000, 128>}]} {
    %get3A = arith.constant 0 : index
    %get3A_0 = arith.constant 0 : index
    %get3A_1 = vector.load %arg2[%get3A, %get3A_0] : memref<5000x16xf32, #tpu.memory_space<vmem>>, vector<5000x16xf32>
    %slice3A = vector.extract_strided_slice %get3A_1 {offsets = [0, 0], sizes = [5000, 1], strides = [1, 1]} : vector<5000x16xf32> to vector<5000x1xf32>
    %get3A_2 = arith.constant 0 : index
    %get3A_3 = arith.constant 0 : index
    %get3A_4 = arith.constant 0 : index
    %get3A_5 = vector.load %arg1[%get3A_2, %get3A_3, %get3A_4] : memref<2x5000x128xf32, #tpu.memory_space<vmem>>, vector<1x5000x128xf32>
    %get3A_6 = vector.shape_cast %get3A_5 : vector<1x5000x128xf32> to vector<5000x128xf32>
    %get3A_7 = arith.constant 1 : index
    %get3A_8 = arith.constant 0 : index
    %get3A_9 = arith.constant 0 : index
    %get3A_10 = vector.load %arg1[%get3A_7, %get3A_8, %get3A_9] : memref<2x5000x128xf32, #tpu.memory_space<vmem>>, vector<1x5000x128xf32>
    %get3A_11 = vector.shape_cast %get3A_10 : vector<1x5000x128xf32> to vector<5000x128xf32>
    %add3A = arith.addf %get3A_6, %get3A_11 : vector<5000x128xf32>
    %mul3A = vector.broadcast %slice3A : vector<5000x1xf32> to vector<5000x128xf32>
    %mul3A_12 = arith.mulf %add3A, %mul3A : vector<5000x128xf32>
    %get3A_13 = arith.constant 0 : index
    %get3A_14 = arith.constant 0 : index
    %get3A_15 = vector.load %arg3[%get3A_13, %get3A_14] : memref<1x128xf32, #tpu.memory_space<vmem>>, vector<1x128xf32>
    %add3A_16 = vector.broadcast %get3A_15 : vector<1x128xf32> to vector<5000x128xf32>
    %add3A_17 = arith.addf %mul3A_12, %add3A_16 : vector<5000x128xf32>
    %max3A = arith.constant 0.000000e+00 : f32
    %max3A_18 = vector.broadcast %max3A : f32 to vector<5000x128xf32>
    %max3A_19 = arith.maximumf %add3A_17, %max3A_18 : vector<5000x128xf32>
    %get3A_20 = arith.constant 0 : index
    %get3A_21 = arith.constant 0 : index
    %get3A_22 = vector.load %arg4[%get3A_20, %get3A_21] : memref<128x128xf32, #tpu.memory_space<vmem>>, vector<128x128xf32>
    %dot_general3A = arith.constant dense<0.000000e+00> : vector<5000x128xf32>
    %dot_general3A_23 = tpu.matmul %max3A_19, %get3A_22, %dot_general3A {dimension_numbers = #tpu.dot_dimension_numbers<[1], [0], [0], [1], [0, 0, 1, 1], [], []>, transpose_lhs_hint = false} : vector<5000x128xf32>, vector<128x128xf32>, vector<5000x128xf32> -> vector<5000x128xf32>
    %mul3A_24 = vector.broadcast %slice3A : vector<5000x1xf32> to vector<5000x128xf32>
    %mul3A_25 = arith.mulf %dot_general3A_23, %mul3A_24 : vector<5000x128xf32>
    %swap3A = arith.constant 0 : index
    %swap3A_26 = arith.constant 0 : index
    %swap3A_27 = vector.load %arg5[%swap3A, %swap3A_26] : memref<5000x128xf32, #tpu.memory_space<vmem>>, vector<5000x128xf32>
    tpu.vector_store %arg5[%swap3A, %swap3A_26], %mul3A_25 {strides = array<i32>} : memref<5000x128xf32, #tpu.memory_space<vmem>>, vector<5000x128xf32>,
    return
  }
  func.func @transform_0(%arg0: i32) -> (i32, i32, i32) {
    %c0_i32 = arith.constant 0 : i32
    %c0_i32_0 = arith.constant 0 : i32
    %c0_i32_1 = arith.constant 0 : i32
    return %c0_i32, %arg0, %c0_i32_0 : i32, i32, i32
  }
  func.func @transform_1(%arg0: i32) -> (i32, i32) {
    %c0_i32 = arith.constant 0 : i32
    %c0_i32_0 = arith.constant 0 : i32
    return %arg0, %c0_i32 : i32, i32
  }
  func.func @transform_2(%arg0: i32) -> (i32, i32) {
    %c0_i32 = arith.constant 0 : i32
    %c0_i32_0 = arith.constant 0 : i32
    %c0_i32_1 = arith.constant 0 : i32
    return %c0_i32, %c0_i32_0 : i32, i32
  }
  func.func @transform_3(%arg0: i32) -> (i32, i32) {
    %c0_i32 = arith.constant 0 : i32
    %c0_i32_0 = arith.constant 0 : i32
    %c0_i32_1 = arith.constant 0 : i32
    return %c0_i32, %c0_i32_0 : i32, i32
  }
  func.func @transform_4(%arg0: i32) -> (i32, i32) {
    %c0_i32 = arith.constant 0 : i32
    %c0_i32_0 = arith.constant 0 : i32
    return %arg0, %c0_i32 : i32, i32
  }
}

module attributes {stable_mosaic.version = 14 : i64} {
  func.func @_mm3_body(%arg0: i32, %arg1: memref<2x5000x128xf32, #tpu.memory_space<vmem>>, %arg2: memref<5000x16xf32, #tpu.memory_space<vmem>>, %arg3: memref<1x128xf32, #tpu.memory_space<vmem>>, %arg4: memref<128x128xf32, #tpu.memory_space<vmem>>, %arg5: memref<1x128xf32, #tpu.memory_space<vmem>>, %arg6: memref<5000x10xf32, #tpu.memory_space<vmem>>) attributes {dimension_semantics = [#tpu.dimension_semantics<arbitrary>], iteration_bounds = array<i64: 2>, scalar_prefetch = 0 : i64, scratch_operands = 0 : i64, tpu.core_type = #tpu.core_type<tc>, window_params = [{transform_indices = @transform_0, window_bounds = array<i64: 2, 5000, 128>}, {transform_indices = @transform_1, window_bounds = array<i64: 5000, 16>}, {pipeline_mode = #tpu.pipeline_mode<synchronous>, transform_indices = @transform_2, window_bounds = array<i64: 1, 128>}, {pipeline_mode = #tpu.pipeline_mode<synchronous>, transform_indices = @transform_3, window_bounds = array<i64: 128, 128>}, {pipeline_mode = #tpu.pipeline_mode<synchronous>, transform_indices = @transform_4, window_bounds = array<i64: 1, 128>}, {transform_indices = @transform_5, window_bounds = array<i64: 5000, 10>}]} {
    %get3A = arith.constant 0 : index
    %get3A_0 = arith.constant 0 : index
    %get3A_1 = vector.load %arg2[%get3A, %get3A_0] : memref<5000x16xf32, #tpu.memory_space<vmem>>, vector<5000x16xf32>
    %slice3A = vector.extract_strided_slice %get3A_1 {offsets = [0, 0], sizes = [5000, 1], strides = [1, 1]} : vector<5000x16xf32> to vector<5000x1xf32>
    %get3A_2 = arith.constant 0 : index
    %get3A_3 = arith.constant 0 : index
    %get3A_4 = arith.constant 0 : index
    %get3A_5 = vector.load %arg1[%get3A_2, %get3A_3, %get3A_4] : memref<2x5000x128xf32, #tpu.memory_space<vmem>>, vector<1x5000x128xf32>
    %get3A_6 = vector.shape_cast %get3A_5 : vector<1x5000x128xf32> to vector<5000x128xf32>
    %get3A_7 = arith.constant 1 : index
    %get3A_8 = arith.constant 0 : index
    %get3A_9 = arith.constant 0 : index
    %get3A_10 = vector.load %arg1[%get3A_7, %get3A_8, %get3A_9] : memref<2x5000x128xf32, #tpu.memory_space<vmem>>, vector<1x5000x128xf32>
    %get3A_11 = vector.shape_cast %get3A_10 : vector<1x5000x128xf32> to vector<5000x128xf32>
    %add3A = arith.addf %get3A_6, %get3A_11 : vector<5000x128xf32>
    %mul3A = vector.broadcast %slice3A : vector<5000x1xf32> to vector<5000x128xf32>
    %mul3A_12 = arith.mulf %add3A, %mul3A : vector<5000x128xf32>
    %get3A_13 = arith.constant 0 : index
    %get3A_14 = arith.constant 0 : index
    %get3A_15 = vector.load %arg3[%get3A_13, %get3A_14] : memref<1x128xf32, #tpu.memory_space<vmem>>, vector<1x128xf32>
    %add3A_16 = vector.broadcast %get3A_15 : vector<1x128xf32> to vector<5000x128xf32>
    %add3A_17 = arith.addf %mul3A_12, %add3A_16 : vector<5000x128xf32>
    %max3A = arith.constant 0.000000e+00 : f32
    %max3A_18 = vector.broadcast %max3A : f32 to vector<5000x128xf32>
    %max3A_19 = arith.maximumf %add3A_17, %max3A_18 : vector<5000x128xf32>
    %get3A_20 = arith.constant 0 : index
    %get3A_21 = arith.constant 0 : index
    %get3A_22 = vector.load %arg4[%get3A_20, %get3A_21] : memref<128x128xf32, #tpu.memory_space<vmem>>, vector<128x128xf32>
    %dot_general3A = arith.constant dense<0.000000e+00> : vector<5000x128xf32>
    %dot_general3A_23 = tpu.matmul %max3A_19, %get3A_22, %dot_general3A {dimension_numbers = #tpu.dot_dimension_numbers<[1], [0], [0], [1], [0, 0, 1, 1], [], []>, transpose_lhs_hint = false} : vector<5000x128xf32>, vector<128x128xf32>, vector<5000x128xf32> -> vector<5000x128xf32>
    %get3A_24 = arith.constant 0 : index
    %get3A_25 = arith.constant 0 : index
    %get3A_26 = vector.load %arg5[%get3A_24, %get3A_25] : memref<1x128xf32, #tpu.memory_space<vmem>>, vector<1x128xf32>
    %add3A_27 = vector.broadcast %get3A_26 : vector<1x128xf32> to vector<5000x128xf32>
    %add3A_28 = arith.addf %dot_general3A_23, %add3A_27 : vector<5000x128xf32>
    %iota3A = tpu.iota {dimensions = array<i32: 1>} : vector<5000x128xi32>
    %lt3A = arith.constant 10 : i32
    %lt3A_29 = vector.broadcast %lt3A : i32 to vector<5000x128xi32>
    %lt3A_30 = arith.cmpi slt, %iota3A, %lt3A_29 : vector<5000x128xi32>
    %jit3A = arith.constant 0xFF800000 : f32
    %broadcast_in_dim3A = vector.broadcast %jit3A : f32 to vector<5000x128xf32>
    %select_n3A = arith.select %lt3A_30, %add3A_28, %broadcast_in_dim3A : vector<5000x128xi1>, vector<5000x128xf32>
    %reduce_max3A = arith.constant dense<0xFF800000> : vector<5000xf32>
    %reduce_max3A_31 = vector.multi_reduction <maximumf>, %select_n3A, %reduce_max3A [1] : vector<5000x128xf32> to vector<5000xf32>
    %broadcast_in_dim3A_32 = vector.shape_cast %reduce_max3A_31 : vector<5000xf32> to vector<5000x1xf32>
    %sub3A = vector.broadcast %broadcast_in_dim3A_32 : vector<5000x1xf32> to vector<5000x128xf32>
    %sub3A_33 = arith.subf %add3A_28, %sub3A : vector<5000x128xf32>
    %exp3A = math.exp %sub3A_33 : vector<5000x128xf32>
    %jit3A_34 = arith.constant 0.000000e+00 : f32
    %broadcast_in_dim3A_35 = vector.broadcast %jit3A_34 : f32 to vector<5000x128xf32>
    %select_n3A_36 = arith.select %lt3A_30, %exp3A, %broadcast_in_dim3A_35 : vector<5000x128xi1>, vector<5000x128xf32>
    %reduce_sum3A = arith.constant dense<0.000000e+00> : vector<5000xf32>
    %reduce_sum3A_37 = vector.multi_reduction <add>, %select_n3A_36, %reduce_sum3A [1] : vector<5000x128xf32> to vector<5000xf32>
    %broadcast_in_dim3A_38 = vector.shape_cast %reduce_sum3A_37 : vector<5000xf32> to vector<5000x1xf32>
    %log3A = math.log %broadcast_in_dim3A_38 : vector<5000x1xf32>
    %add3A_39 = arith.addf %log3A, %broadcast_in_dim3A_32 : vector<5000x1xf32>
    %sub3A_40 = vector.broadcast %add3A_39 : vector<5000x1xf32> to vector<5000x128xf32>
    %sub3A_41 = arith.subf %add3A_28, %sub3A_40 : vector<5000x128xf32>
    %slice3A_42 = vector.extract_strided_slice %sub3A_41 {offsets = [0, 0], sizes = [5000, 10], strides = [1, 1]} : vector<5000x128xf32> to vector<5000x10xf32>
    %swap3A = arith.constant 0 : index
    %swap3A_43 = arith.constant 0 : index
    %swap3A_44 = vector.load %arg6[%swap3A, %swap3A_43] : memref<5000x10xf32, #tpu.memory_space<vmem>>, vector<5000x10xf32>
    tpu.vector_store %arg6[%swap3A, %swap3A_43], %slice3A_42 {strides = array<i32>} : memref<5000x10xf32, #tpu.memory_space<vmem>>, vector<5000x10xf32>,
    return
  }
  func.func @transform_0(%arg0: i32) -> (i32, i32, i32) {
    %c0_i32 = arith.constant 0 : i32
    %c0_i32_0 = arith.constant 0 : i32
    %c0_i32_1 = arith.constant 0 : i32
    return %c0_i32, %arg0, %c0_i32_0 : i32, i32, i32
  }
  func.func @transform_1(%arg0: i32) -> (i32, i32) {
    %c0_i32 = arith.constant 0 : i32
    %c0_i32_0 = arith.constant 0 : i32
    return %arg0, %c0_i32 : i32, i32
  }
  func.func @transform_2(%arg0: i32) -> (i32, i32) {
    %c0_i32 = arith.constant 0 : i32
    %c0_i32_0 = arith.constant 0 : i32
    %c0_i32_1 = arith.constant 0 : i32
    return %c0_i32, %c0_i32_0 : i32, i32
  }
  func.func @transform_3(%arg0: i32) -> (i32, i32) {
    %c0_i32 = arith.constant 0 : i32
    %c0_i32_0 = arith.constant 0 : i32
    %c0_i32_1 = arith.constant 0 : i32
    return %c0_i32, %c0_i32_0 : i32, i32
  }
  func.func @transform_4(%arg0: i32) -> (i32, i32) {
    %c0_i32 = arith.constant 0 : i32
    %c0_i32_0 = arith.constant 0 : i32
    %c0_i32_1 = arith.constant 0 : i32
    return %c0_i32, %c0_i32_0 : i32, i32
  }
  func.func @transform_5(%arg0: i32) -> (i32, i32) {
    %c0_i32 = arith.constant 0 : i32
    %c0_i32_0 = arith.constant 0 : i32
    return %arg0, %c0_i32 : i32, i32
  }
}

</mosaic_0001>

<sc_bundles>
// kernel: kernel.11.cloned.1.call-start
scs
__scs_entry_jumppad:
0x0: {  	(pc) =	sbr.rel $0x88, $3  }
0x1: {  	(tag) =	ssettag $0x0;
	lr =	simm.s32 $0x1  }
0x2: {  	[smem:$0x3F99] =	sst lr;
	_ =	strace $0xD0000000  }
0x3: {  	_ = 	snop  }
0x4: {  	_ = 	snop  }
0x5: {  	_ = 	snop  }
0x6: {  	_ = 	snop  }
0x7: {  	_ = 	snop  }
__scs_overlays_trampoline_lowered:
0x8: {  	[smem:$0x3FA8] =	sst s0  }
0x9: {  	[smem:$0x3FA9] =	sst s1  }
0xa: {  	[smem:$0x3FAA] =	sst s2  }
0xb: {  	[smem:$0x3FAB] =	sst s3  }
0xc: {  	[smem:$0x3FAC] =	sst s4  }
0xd: {  	[smem:$0x3FAD] =	sst s5  }
0xe: {  	[smem:$0x3FAE] =	sst s6  }
0xf: {  	[smem:$0x3FAF] =	sst s7  }
0x10: {  	[smem:$0x3FB0] =	sst s8  }
0x11: {  	[smem:$0x3FB1] =	sst s9;
	s0 =	simm.s32 @!p0 $0x0  }
0x12: {  	s1 =	sld [smem:$0x3F97];
	s0 =	simm.s32 @p0 $0x1  }
0x13: {  	[smem:$0x3FB2] =	sst s0;
	s0 =	simm.s32 @!p1 $0x0  }
0x14: {  	s2 =	sld [smem:$0x3F96];
	s0 =	simm.s32 @p1 $0x1  }
0x15: {  	[smem:$0x3FB3] =	sst s0;
	s0 =	simm.s32 @!p2 $0x0  }
0x16: {  	s3 =	sld [smem:$0x3FDB];
	s0 =	simm.s32 @p2 $0x1  }
0x17: {  	s4 =	simm.s32 $0x1BF5;
	[smem:$0x3FB5] =	sst s0  }
0x18: {  	s0 =	sld [smem:$0x3F98];
	_ =	swait.ge [sflag:s4], $0x0  }
0x19: {  	s7 =	sld [smem:$0x3F99]  }
0x1a: {  	s8 =	sadd.s32 $0xFFFFE003, lr  }
0x1b: {  	s9 =	sadd.s32 $0xFFFFFEF7, lr;
	s5 =	simm.s32 $0xFFFFFFFF;
	p2 =	slt.u32 s8, $0xFFFFF086  }
0x1c: {  	p1 =	slt.u32 s9, $0xF7A;
	s5 =	simm.s32 @!p2 $0x0  }
0x1d: {  	s5 =	simm.s32 @p1 $0x1;
	p0 =	seq.s32 s7, s2  }
0x1e: {  	s7 =	smul.u32 @!p0 $0xF7A, s2;
	p2 =	seq.s32 @!p0 s5, $0x0  }
0x1f: {  	s9 =	smul.u32 $0xF7A, s1;
	s8 =	simm.s32 @!p0 $0x1BF5;
	p2 =	por !p2, p0  }
0x20: {  	[sflag:s8] =	ssyncset.s32 @!p0 $0xFFFFF086;
	s6 =	sadd.s32 @!p0 s3, s7;
	s7 =	simm.s32 @!p0 $0x108  }
0x21: {  	s3 =	sadd.s32 s3, s9;
	s6 =	sadd.s32 @!p0 $0x88, s6;
	s7 =	simm.s32 @p2 $0x1082  }
0x22: {  	[simem:s7], [sflag:s8] =	dma.local @!p0 [hbm:s6], $0xF7A  }
0x23: {  	s9 =	sor.u32 $0xD0000000, s2;
	s6 =	simm.s32 $0x108;
	_ =	swait.ge @!p0 [sflag:s8], $0x0  }
0x24: {  	s3 =	sadd.s32 $0x88, s3;
	s6 =	simm.s32 @!p1 $0x1082;
	[sflag:s4] =	ssyncset.s32 $0xFFFFF086  }
0x25: {  	[simem:s6], [sflag:s4] =	dma.local [hbm:s3], $0xF7A  }
0x26: {  	[smem:$0x3F99] =	sst s1;
	(tag) =	ssettag s2;
	_ =	strace s9  }
0x27: {  	s1 =	sld [smem:$0x3FA9]  }
0x28: {  	s2 =	sld [smem:$0x3FAA]  }
0x29: {  	s4 =	sld [smem:$0x3FAC]  }
0x2a: {  	p0 =	seq.s32 s5, $0x0;
	s5 =	sld [smem:$0x3FAD]  }
0x2b: {  	s6 =	sld [smem:$0x3FAE]  }
0x2c: {  	s7 =	sld [smem:$0x3FAF]  }
0x2d: {  	s3 =	simm.s32 $0x108;
	s8 =	sld [smem:$0x3FB0]  }
0x2e: {  	s3 =	simm.s32 @!p0 $0x1082;
	s9 =	sld [smem:$0x3FB1]  }
0x2f: {  	lr =	sadd.s32 s0, s3;
	s0 =	sld [smem:$0x3FA8]  }
0x30: {  	s3 =	sld [smem:$0x3FAB]  }
0x31: {  	[smem:$0x3FB4] =	sst s10  }
0x32: {  	s10 =	sld [smem:$0x3FB2];
	_ =	sdelay $0x3  }
0x33: {  	p0 =	seq.s32 s10, $0x1;
	s10 =	sld [smem:$0x3FB4];
	_ =	sdelay $0x3  }
0x34: {  	[smem:$0x3FB4] =	sst s10  }
0x35: {  	s10 =	sld [smem:$0x3FB3];
	_ =	sdelay $0x3  }
0x36: {  	p1 =	seq.s32 s10, $0x1;
	s10 =	sld [smem:$0x3FB4];
	_ =	sdelay $0x3  }
0x37: {  	[smem:$0x3FB4] =	sst s10  }
0x38: {  	s10 =	sld [smem:$0x3FB5]  }
0x39: {  	_ = 	snop;
	(pc) =	sbr.ind lr, $3  }
0x3a: {  	_ = 	snop  }
0x3b: {  	_ = 	snop  }
0x3c: {  	p2 =	seq.s32 s10, $0x1;
	s10 =	sld [smem:$0x3FB4]  }
0x3d: {  	_ =	shalt  }
0x3e: {  	_ =	shalt  }
0x3f: {  	_ =	shalt  }
0x40: {  	_ =	shalt  }
0x41: {  	_ =	shalt  }
0x42: {  	_ =	shalt  }
0x43: {  	_ =	shalt  }
0x44: {  	_ =	shalt  }
0x45: {  	_ =	shalt  }
0x46: {  	_ =	shalt  }
0x47: {  	_ =	shalt  }
0x48: {  	_ =	shalt  }
0x49: {  	_ =	shalt  }
0x4a: {  	_ =	shalt  }
0x4b: {  	_ =	shalt  }
0x4c: {  	_ =	shalt  }
0x4d: {  	_ =	shalt  }
0x4e: {  	_ =	shalt  }
0x4f: {  	_ =	shalt  }
0x50: {  	_ =	shalt  }
0x51: {  	_ =	shalt  }
0x52: {  	_ =	shalt  }
0x53: {  	_ =	shalt  }
0x54: {  	_ =	shalt  }
0x55: {  	_ =	shalt  }
0x56: {  	_ =	shalt  }
0x57: {  	_ =	shalt  }
0x58: {  	_ =	shalt  }
0x59: {  	_ =	shalt  }
0x5a: {  	_ =	shalt  }
0x5b: {  	_ =	shalt  }
0x5c: {  	_ =	shalt  }
0x5d: {  	_ =	shalt  }
0x5e: {  	_ =	shalt  }
0x5f: {  	_ =	shalt  }
0x60: {  	_ =	shalt  }
0x61: {  	_ =	shalt  }
0x62: {  	_ =	shalt  }
0x63: {  	_ =	shalt  }
0x64: {  	_ =	shalt  }
0x65: {  	_ =	shalt  }
0x66: {  	_ =	shalt  }
0x67: {  	_ =	shalt  }
0x68: {  	_ =	shalt  }
0x69: {  	_ =	shalt  }
0x6a: {  	_ =	shalt  }
0x6b: {  	_ =	shalt  }
0x6c: {  	_ =	shalt  }
0x6d: {  	_ =	shalt  }
0x6e: {  	_ =	shalt  }
0x6f: {  	_ =	shalt  }
0x70: {  	_ =	shalt  }
0x71: {  	_ =	shalt  }
0x72: {  	_ =	shalt  }
0x73: {  	_ =	shalt  }
0x74: {  	_ =	shalt  }
0x75: {  	_ =	shalt  }
0x76: {  	_ =	shalt  }
0x77: {  	_ =	shalt  }
0x78: {  	_ =	shalt  }
0x79: {  	_ =	shalt  }
0x7a: {  	_ =	shalt  }
0x7b: {  	_ =	shalt  }
0x7c: {  	_ =	shalt  }
0x7d: {  	_ =	shalt  }
0x7e: {  	_ =	shalt  }
0x7f: {  	_ =	shalt  }
0x80: {  	_ =	shalt  }
0x81: {  	_ =	shalt  }
0x82: {  	_ =	shalt  }
0x83: {  	_ =	shalt  }
0x84: {  	_ =	shalt  }
0x85: {  	_ =	shalt  }
0x86: {  	_ =	shalt  }
0x87: {  	_ =	shalt  }
.Lfunc_end0:
.L_simem_size_0:
called_computation.1_lowered:
.L_overlay_start_0:
0x88: {  	s2 =	sld [smem:$0x3FD9]  }
0x89: {  	s3 =	sld [smem:$0x3FFE];
	_ =	sdelay $0x1  }
0x8a: {  	s1 =	srdreg.scid  }
0x8b: {  	s0 =	sand.u32 $0x1, s1  }
0x8c: {  	s17 =	sshll.u32 s0, $0xA;
	s2 =	sadd.s32 s3, s2  }
0x8d: {  	s2 =	sadd.s32 s2, s17  }
0x8e: {  	[smem:$0x3FC0] =	sst s2  }
0x8f: {  	_ = 	snop  }
0x90: {  	s2 =	sld [smem:$0x3FD0];
	(tm) =	ssettm $0x1  }
0x91: {  	s18 =	sld [smem:$0x3FFB];
	_ =	sdelay $0x3  }
0x92: {  	_ =	strace s18  }
0x93: {  	s3 =	sld [smem:$0x3FFC];
	_ =	sdelay $0x3  }
0x94: {  	_ =	strace s3  }
0x95: {  	s3 =	sld [smem:$0x3FFD];
	_ =	sdelay $0x3  }
0x96: {  	_ =	strace s3  }
0x97: {  	_ =	strace $0x8FFFFFFF  }
0x98: {  	s19 =	sld [smem:$0x3FDB];
	_ =	sdelay $0x1  }
0x99: {  	s4 =	simm.s32 $_scs_section_size  }
0x9a: {  	s5 =	simm.s32 $_size__tile_overlayer_lowered;
	s6 =	simm.s32 $_tile_overlayer_lowered  }
0x9b: {  	s22 =	simm.s32 $0x1BFF;
	s21 =	sshll.u32 s6, $0x1;
	s3 =	sadd.s32 s4, s19  }
0x9c: {  	s7 =	simm.s32 $0x0;
	s20 =	sshll.u32 s5, $0x1;
	s5 =	sadd.s32 s21, s3  }
0x9d: {  	[timem:s7], [sflag:s22] =	dma.local [hbm:s5], s20  }
0x9e: {  	_ =	swait.ge [sflag:s22], s20  }
0x9f: {  	s4 =	ssub.s32 $0x0, s20;
	[sflag:s22] =	ssyncset.done $0x0  }
0xa0: {  	[sflag:s22] =	ssyncadd.s32 s4;
	_ =	sdelay $0x1  }
0xa1: {  	s23 =	simm.s32 $0x1B8B  }
0xa2: {  	_ =	swait.ge [sflag:s23], $0x1  }
0xa3: {  	[sflag:s23] =	ssyncset.done $0x0  }
0xa4: {  	s25 =	simm.s32 $0x1B8E;
	s24 =	sld [smem:$0x3FFE];
	[sflag:s23] =	ssyncadd.s32 $0xFFFFFFFF  }
0xa5: {  	s26 =	simm.s32 $execute0_lowered;
	[smem:$0x3FD2] =	sst s25  }
0xa6: {  	s5 =	sshll.u32 s26, $0x1;
	_ =	strace $0x80000049;
	[dreg:$0x1] =	wrdreg $0xFFFFFFFF  }
0xa7: {  	s28 =	simm.s32 $_size_execute0_lowered;
	s3 =	sadd.s32 s3, s5;
	[dreg:$0x0] =	wrdreg $0x0  }
0xa8: {  	s5 =	sshll.u32 s28, $0x1;
	[dreg:$0x2] =	wrdreg s3  }
0xa9: {  	[dreg:$0x3] =	wrdreg s5  }
0xaa: {  	[dreg:$0x4] =	wrdreg $0xC0  }
0xab: {  	_ =	task [dreg:s7], $0x5FFFF  }
0xac: {  	[dreg:$0x1] =	wrdreg $0xFFFFFFFF  }
0xad: {  	[dreg:$0x0] =	wrdreg $0x60  }
0xae: {  	[dreg:$0x2] =	wrdreg s24  }
0xaf: {  	[dreg:$0x3] =	wrdreg s2  }
0xb0: {  	[dreg:$0x4] =	wrdreg $0xC6200  }
0xb1: {  	[dreg:$0x5] =	wrdreg $0x9  }
0xb2: {  	_ =	task.clear_ibuf [dreg:s7], $0x6FFFF;
	_ =	strace $0x90000049  }
0xb3: {  	s29 =	simm.s32 $0x9;
	_ =	strace $0x8000004B  }
0xb4: {  	_ =	swait.ge [sflag:s29], $0x1  }
0xb5: {  	[sflag:s29] =	ssyncadd.s32 $0xFFFFFFFF  }
0xb6: {  	_ =	strace $0x9000004B  }
0xb7: {  	_ =	sfence  }
0xb8: {  	s30 =	sld [smem:$0x0];
	_ =	sdelay $0x2  }
0xb9: {  	s31 =	sshll.u32 s1, $0xD;
	s1 =	sshrl.u32 s1, $0x2  }
0xba: {  	s3 =	sand.u32 $0x4000, s31;
	s1 =	sadd.s32 s1, s30  }
0xbb: {  	s0 =	sor.u32 s3, s0;
	s1 =	sshll.u32 s1, $0x11  }
0xbc: {  	s0 =	sor.u32 s1, s0  }
0xbd: {  	s0 =	sadd.s32 $0x8F2B, s0  }
0xbe: {  	[sflag:s0] =	ssyncadd.remote.s32 $0x1  }
0xbf: {  	_ =	sfence.sel $0xFFFF  }
0xc0: {  	[dreg:$0x0] =	wrdreg $0xFFFFFFFF;
	(pc) =	sbr.abs _section_cstart, $3  }
0xc1: {  	[dreg:$0x1] =	wrdreg $0xFFFFFFFF  }
0xc2: {  	_ =	task.clear_ibuf [dreg:s7], $0x2FFFF;
	_ =	strace $0x9FFFFFFF  }
0xc3: {  	(tm) =	ssettm $0x7FFFFFFF  }
tec
execute0_lowered:
.L_overlay_start_1:
0x0: {  	(tag) =	ssettag $0x1  }
0x1: {  	s0 =	srdreg.scid  }
0x2: {  	s13 =	stileid.u32;
	s1 =	rddreg [dreg:$0x0]  }
0x3: {  	s3 =	rddreg [dreg:$0x2];
	s4 =	simm.s32 $0x0;
	s12 =	simm.s32 $0x4  }
0x4: {  	s18 =	simm.s32 $0x50;
	s19 =	simm.s32 $0x4E20;
	s20 =	simm.s32 $0x7620  }
0x5: {  	s22 =	simm.s32 $0x9E20;
	s23 =	simm.s32 $0x1;
	s24 =	simm.s32 $0x2  }
0x6: {  	s28 =	simm.s32 $0x2670;
	s29 =	simm.s32 $0x4CE0;
	s30 =	simm.s32 $0x26C0  }
0x7: {  	s31 =	simm.s32 $0x4D30;
	s0 =	sand.u32 $0x1, s0;
	s8 =	smul.u32 $0x13880, s13  }
0x8: {  	s2 =	sshll.u32 s13, $0x1;
	[smem:$0x7FF] =	sst s4;
	s10 =	smul.u32 $0x4E200, s13  }
0x9: {  	s5 =	sadd.s32 $0x16000, s1;
	s2 =	sor.u32 s0, s2;
	s6 =	smul.u32 $0x138800, s0  }
0xa: {  	_ =	strace $0x8000004A;
	s7 =	ssub.s32 $0x2, s0;
	p0 =	sne.s32 s0, $0x0  }
0xb: {  	s2 =	smul.u32 $0x2710, s2;
	s9 =	sshrl.u32 s7, $0x1;
	s25 =	sshrl.u32 s10, $0x2  }
0xc: {  	s26 =	sshrl.u32 s8, $0x3;
	s0 =	sshll.u32 @p0 s13, $0x6;
	s6 =	sadd.s32 s8, s6  }
0xd: {  	s11 =	ssub.s32 s7, s9;
	s8 =	sadd.s32 s8, s3;
	s9 =	sadd.s32 s5, s26  }
0xe: {  	s14 =	sor.u32 @p0 $0x1C04, s0;
	s0 =	sshll.u32 @!p0 s13, $0x6;
	s2 =	sshrl.u32 s2, $0x3  }
0xf: {  	s6 =	sshrl.u32 s6, $0x3;
	s11 =	smax.u32 s11, $0x1;
	s16 =	sor.u32 @!p0 $0x1C04, s0  }
0x10: {  	s17 =	sshrl.u32 @!p0 s8, $0x3;
	s0 =	simm.s32 $0x0;
	s2 =	sadd.s32 s2, s1  }
0x11: {  	s1 =	sadd.s32 s6, s1;
	s6 =	sadd.s32 $0x2600, s2;
	s7 =	sadd.s32 $0xC240, s2  }
0x12: {  	s2 =	sadd.s32 s25, s3;
	s10 =	sadd.s32 $0x3D200, s1;
	s25 =	simm.s32 $0x3  }
0x13: {  	s1 =	simm.s32 $0x4D80;
	s15 =	sshrl.u32 @p0 s2, $0x3;
	s2 =	simm.s32 $0x4DD0  }
.LBB2_1:
0x14: {  	[tilespmem:s4], [sflag:$0x4] =	stream.linear.gather [hbm4b:s6+s4], $0x2710, $0x38;
	[tilespmem:$0x1FEA0] =	vst v63  }
0x15: {  	_ =	swait.ge [sflag:s12], $0x2710  }
0x16: {  	[sflag:s12] =	ssyncset.done $0x0  }
0x17: {  	s13 =	simm.s32 $0x2710;
	[sflag:s12] =	ssyncadd.s32 $0xFFFFD8F0  }
0x18: {  	[tilespmem:s13], [sflag:$0x4] =	stream.linear.gather [hbm4b:s7+s4], $0x2710, $0x38;
	[tilespmem:$0x1FEA0] =	vst v63  }
0x19: {  	_ =	swait.ge [sflag:s12], $0x2710  }
0x1a: {  	[sflag:s12] =	ssyncset.done $0x0  }
0x1b: {  	[sflag:s12] =	ssyncadd.s32 $0xFFFFD8F0  }
0x1c: {  	s13 =	rddreg [dreg:$0x1]  }
0x1d: {  	[spmem:s15], [sflag:s14] =	dma.local @p0 [hbm:s13], $0x2710  }
0x1e: {  	[spmem:s17], [sflag:s16] =	dma.local @!p0 [hbm:s9], $0x2710  }
0x1f: {  	_ =	swait.ge [sflag:s12], $0x2710  }
0x20: {  	[sflag:s12] =	ssyncset.done $0x0  }
0x21: {  	[sflag:s12] =	ssyncadd.s32 $0xFFFFD8F0  }
0x22: {  	[bflag:$0x0] =	sbarrier.arrive $0xFFFF  }
0x23: {  	[tilespmem:s19], [sflag:$0x1] =	stream.indirect.gather [hbm4b:s5+s18], $0x80, s4, s18, $0xb8;
	[tilespmem:$0x1FEA0] =	vst v63  }
0x24: {  	_ = 	snop  }
0x25: {  	[tilespmem:s20], [sflag:$0x2] =	stream.indirect.gather [hbm4b:s5+s18], $0x80, s18, s18, $0xb8;
	[tilespmem:$0x1FEA0] =	vst v63  }
0x26: {  	s21 =	simm.s32 $0xA0  }
0x27: {  	[tilespmem:s22], [sflag:$0x3] =	stream.indirect.gather [hbm4b:s5+s18], $0x80, s21, s18, $0xb8;
	[tilespmem:$0x1FEA0] =	vst v63  }
0x28: {  	_ =	swait.ge [sflag:s23], $0x2800  }
0x29: {  	[sflag:s23] =	ssyncset.done $0x0  }
0x2a: {  	s26 =	simm.s32 $0x2710;
	[sflag:s23] =	ssyncadd.s32 $0xFFFFD800  }
0x2b: {  	[spmem:s3] =	stream.indirect.scatter.add.f32 [tilespmem:s19], [sflag:$0x4], $0x80, s26, s18, $0xb8;
	[tilespmem:$0x1FEA0] =	vst v63  }
0x2c: {  	_ =	swait.ge [sflag:s12], $0x2800  }
0x2d: {  	[sflag:s12] =	ssyncset.done $0x0  }
0x2e: {  	s21 =	simm.s32 $0xF0;
	[sflag:s12] =	ssyncadd.s32 $0xFFFFD800  }
0x2f: {  	[tilespmem:s19], [sflag:$0x1] =	stream.indirect.gather [hbm4b:s5+s18], $0x80, s21, s18, $0xb8;
	[tilespmem:$0x1FEA0] =	vst v63  }
0x30: {  	_ =	swait.ge [sflag:s24], $0x2800  }
0x31: {  	[sflag:s24] =	ssyncset.done $0x0  }
0x32: {  	s26 =	simm.s32 $0x2760;
	[sflag:s24] =	ssyncadd.s32 $0xFFFFD800  }
0x33: {  	[spmem:s3] =	stream.indirect.scatter.add.f32 [tilespmem:s20], [sflag:$0x4], $0x80, s26, s18, $0xb8;
	[tilespmem:$0x1FEA0] =	vst v63  }
0x34: {  	_ =	swait.ge [sflag:s12], $0x2800  }
0x35: {  	[sflag:s12] =	ssyncset.done $0x0  }
0x36: {  	s21 =	simm.s32 $0x140;
	[sflag:s12] =	ssyncadd.s32 $0xFFFFD800  }
0x37: {  	[tilespmem:s20], [sflag:$0x2] =	stream.indirect.gather [hbm4b:s5+s18], $0x80, s21, s18, $0xb8;
	[tilespmem:$0x1FEA0] =	vst v63  }
0x38: {  	_ =	swait.ge [sflag:s25], $0x2800  }
0x39: {  	[sflag:s25] =	ssyncset.done $0x0  }
0x3a: {  	s26 =	simm.s32 $0x27B0;
	[sflag:s25] =	ssyncadd.s32 $0xFFFFD800  }
0x3b: {  	[spmem:s3] =	stream.indirect.scatter.add.f32 [tilespmem:s22], [sflag:$0x4], $0x80, s26, s18, $0xb8;
	[tilespmem:$0x1FEA0] =	vst v63  }
0x3c: {  	_ =	swait.ge [sflag:s12], $0x2800  }
0x3d: {  	[sflag:s12] =	ssyncset.done $0x0  }
0x3e: {  	s13 =	simm.s32 $0x3C0;
	s21 =	simm.s32 $0x190;
	[sflag:s12] =	ssyncadd.s32 $0xFFFFD800  }
.LBB2_2:
0x3f: {  	[tilespmem:s22], [sflag:$0x3] =	stream.indirect.gather [hbm4b:s5+s18], $0x80, s21, s18, $0xb8;
	[tilespmem:$0x1FEA0] =	vst v63  }
0x40: {  	s21 =	smov.u32 s13  }
0x41: {  	p1 =	sne.s32 s13, $0x9240;
	s13 =	sadd.s32 $0x3C0, s13;
	_ =	swait.ge [sflag:s23], $0x2800  }
0x42: {  	s21 =	sshra.s32 s21, $0x2;
	[sflag:s23] =	ssyncset.done $0x0  }
0x43: {  	s26 =	sadd.s32 $0x2710, s21;
	[sflag:s23] =	ssyncadd.s32 $0xFFFFD800  }
0x44: {  	[spmem:s3] =	stream.indirect.scatter.add.f32 [tilespmem:s19], [sflag:$0x4], $0x80, s26, s18, $0xb8;
	[tilespmem:$0x1FEA0] =	vst v63  }
0x45: {  	_ =	swait.ge [sflag:s12], $0x2800  }
0x46: {  	[sflag:s12] =	ssyncset.done $0x0  }
0x47: {  	s26 =	sadd.s32 $0xF0, s21;
	[sflag:s12] =	ssyncadd.s32 $0xFFFFD800  }
0x48: {  	[tilespmem:s19], [sflag:$0x1] =	stream.indirect.gather [hbm4b:s5+s18], $0x80, s26, s18, $0xb8;
	[tilespmem:$0x1FEA0] =	vst v63  }
0x49: {  	_ =	swait.ge [sflag:s24], $0x2800  }
0x4a: {  	[sflag:s24] =	ssyncset.done $0x0  }
0x4b: {  	s26 =	sadd.s32 $0x2760, s21;
	[sflag:s24] =	ssyncadd.s32 $0xFFFFD800  }
0x4c: {  	[spmem:s3] =	stream.indirect.scatter.add.f32 [tilespmem:s20], [sflag:$0x4], $0x80, s26, s18, $0xb8;
	[tilespmem:$0x1FEA0] =	vst v63  }
0x4d: {  	_ =	swait.ge [sflag:s12], $0x2800  }
0x4e: {  	[sflag:s12] =	ssyncset.done $0x0  }
0x4f: {  	s26 =	sadd.s32 $0x140, s21;
	[sflag:s12] =	ssyncadd.s32 $0xFFFFD800  }
0x50: {  	[tilespmem:s20], [sflag:$0x2] =	stream.indirect.gather [hbm4b:s5+s18], $0x80, s26, s18, $0xb8;
	[tilespmem:$0x1FEA0] =	vst v63  }
0x51: {  	_ =	swait.ge [sflag:s25], $0x2800  }
0x52: {  	[sflag:s25] =	ssyncset.done $0x0  }
.Ltmp0:
0x53: {  	s26 =	sadd.s32 $0x27B0, s21;
	[sflag:s25] =	ssyncadd.s32 $0xFFFFD800;
	(pc) =	sbr.rel @p1 .LBB2_2-.Ltmp0, $4  }
0x54: {  	[spmem:s3] =	stream.indirect.scatter.add.f32 [tilespmem:s22], [sflag:$0x4], $0x80, s26, s18, $0xb8;
	[tilespmem:$0x1FEA0] =	vst v63  }
0x55: {  	_ =	swait.ge [sflag:s12], $0x2800  }
0x56: {  	[sflag:s12] =	ssyncset.done $0x0  }
0x57: {  	s21 =	sadd.s32 $0x190, s21;
	[sflag:s12] =	ssyncadd.s32 $0xFFFFD800  }
0x58: {  	[tilespmem:s22], [sflag:$0x3] =	stream.indirect.gather [hbm4b:s5+s18], $0x80, s21, s18, $0xb8;
	[tilespmem:$0x1FEA0] =	vst v63  }
0x59: {  	_ =	swait.ge [sflag:s23], $0x2800  }
0x5a: {  	[sflag:s23] =	ssyncset.done $0x0  }
0x5b: {  	s13 =	simm.s32 $0x4C90;
	[sflag:s23] =	ssyncadd.s32 $0xFFFFD800  }
0x5c: {  	[spmem:s3] =	stream.indirect.scatter.add.f32 [tilespmem:s19], [sflag:$0x4], $0x80, s13, s18, $0xb8;
	[tilespmem:$0x1FEA0] =	vst v63  }
0x5d: {  	_ =	swait.ge [sflag:s12], $0x2800  }
0x5e: {  	[sflag:s12] =	ssyncset.done $0x0  }
0x5f: {  	[sflag:s12] =	ssyncadd.s32 $0xFFFFD800  }
0x60: {  	[tilespmem:s19], [sflag:$0x1] =	stream.indirect.gather [hbm4b:s5+s18], $0x80, s28, s18, $0xb8;
	[tilespmem:$0x1FEA0] =	vst v63  }
0x61: {  	_ =	swait.ge [sflag:s24], $0x2800  }
0x62: {  	[sflag:s24] =	ssyncset.done $0x0  }
0x63: {  	[sflag:s24] =	ssyncadd.s32 $0xFFFFD800  }
0x64: {  	[spmem:s3] =	stream.indirect.scatter.add.f32 [tilespmem:s20], [sflag:$0x4], $0x80, s29, s18, $0xb8;
	[tilespmem:$0x1FEA0] =	vst v63  }
0x65: {  	_ =	swait.ge [sflag:s12], $0x2800  }
0x66: {  	[sflag:s12] =	ssyncset.done $0x0  }
0x67: {  	[sflag:s12] =	ssyncadd.s32 $0xFFFFD800  }
0x68: {  	[tilespmem:s20], [sflag:$0x2] =	stream.indirect.gather [hbm4b:s5+s18], $0x80, s30, s18, $0xb8;
	[tilespmem:$0x1FEA0] =	vst v63  }
0x69: {  	_ =	swait.ge [sflag:s25], $0x2800  }
0x6a: {  	[sflag:s25] =	ssyncset.done $0x0  }
0x6b: {  	[sflag:s25] =	ssyncadd.s32 $0xFFFFD800  }
0x6c: {  	[spmem:s3] =	stream.indirect.scatter.add.f32 [tilespmem:s22], [sflag:$0x4], $0x80, s31, s18, $0xb8;
	[tilespmem:$0x1FEA0] =	vst v63  }
0x6d: {  	_ =	swait.ge [sflag:s12], $0x2800  }
0x6e: {  	[sflag:s12] =	ssyncset.done $0x0  }
0x6f: {  	[sflag:s12] =	ssyncadd.s32 $0xFFFFD800  }
0x70: {  	_ =	swait.ge [sflag:s23], $0x2800  }
0x71: {  	[sflag:s23] =	ssyncset.done $0x0  }
0x72: {  	[sflag:s23] =	ssyncadd.s32 $0xFFFFD800  }
0x73: {  	[spmem:s3] =	stream.indirect.scatter.add.f32 [tilespmem:s19], [sflag:$0x4], $0x80, s1, s18, $0xb8;
	[tilespmem:$0x1FEA0] =	vst v63  }
0x74: {  	_ =	swait.ge [sflag:s12], $0x2800  }
0x75: {  	[sflag:s12] =	ssyncset.done $0x0  }
0x76: {  	[sflag:s12] =	ssyncadd.s32 $0xFFFFD800  }
0x77: {  	_ =	swait.ge [sflag:s24], $0x2800  }
0x78: {  	[sflag:s24] =	ssyncset.done $0x0  }
0x79: {  	[sflag:s24] =	ssyncadd.s32 $0xFFFFD800  }
0x7a: {  	[spmem:s3] =	stream.indirect.scatter.add.f32 [tilespmem:s20], [sflag:$0x4], $0x80, s2, s18, $0xb8;
	[tilespmem:$0x1FEA0] =	vst v63  }
0x7b: {  	s21 =	stileid.u32;
	_ =	swait.ge [sflag:s12], $0x2800  }
0x7c: {  	s26 =	sshrl.u32 s8, $0x3;
	s0 =	sadd.s32 $0x1, s0;
	[sflag:s12] =	ssyncset.done $0x0  }
0x7d: {  	p1 =	sne.s32 s0, s11;
	s13 =	sshll.u32 s21, $0x6;
	[sflag:s12] =	ssyncadd.s32 $0xFFFFD800  }
.Ltmp1:
0x7e: {  	s13 =	sor.u32 $0x1C04, s13;
	[bflag:$0x0] =	sbarrier.arrive $0xFFFF;
	(pc) =	sbr.rel @p1 .LBB2_1-.Ltmp1, $4  }
0x7f: {  	[hbm:s10], [sflag:s13] =	dma.local [spmem:s26], $0x2710  }
0x80: {  	_ =	swait.ge [sflag:s12], $0x2710  }
0x81: {  	[sflag:s12] =	ssyncset.done $0x0  }
0x82: {  	[sflag:s12] =	ssyncadd.s32 $0xFFFFD8F0  }
0x83: {  	_ =	sfence.sel $0x180000  }
0x84: {  	[bflag:$0x0] =	sbarrier.arrive $0xFFFF  }
0x85: {  	_ =	strace $0x9000004A  }
0x86: {  	s0 =	stileid.u32;
	[bflag:$0x2] =	sbarrier.arrive $0xFFFF  }
0x87: {  	p0 =	sne.s32 s0, $0x0;
	s0 =	rddreg [dreg:$0x3]  }
0x88: {  	s0 =	sadd.s32 @!p0 $0x100000, s0  }
0x89: {  	[sflag:s0] =	ssyncadd.tile.s32 @!p0 $0x1;
	_ =	shalt  }
.Lfunc_end2:
_tile_overlayer_lowered:
.L_overlay_start_2:
0x8a: {  	(tag) =	ssettag $0x2  }
0x8b: {  	s0 =	rddreg [dreg:$0x0];
	s2 =	stileid.u32  }
0x8c: {  	s1 =	rddreg [dreg:$0x1];
	p0 =	sne.s32 s2, $0x0  }
0x8d: {  	s3 =	rddreg [dreg:$0x2];
	[bflag:$0x3] =	sbarrier.arrive $0xFFFF;
	s2 =	simm.s32 @!p0 $0x1C04  }
0x8e: {  	[timem:s3], [sflag:s2] =	dma.local @!p0 [hbm:s0], s1  }
0x8f: {  	s0 =	simm.s32 @!p0 $0x4  }
0x90: {  	_ =	swait.ge @!p0 [sflag:s0], s1  }
0x91: {  	s1 =	ssub.s32 @!p0 $0x0, s1;
	[sflag:s0] =	ssyncset.done @!p0 $0x0  }
0x92: {  	[sflag:s0] =	ssyncadd.s32 @!p0 s1  }
0x93: {  	[bflag:$0x3] =	sbarrier.arrive $0xFFFF  }
0x94: {  	_ =	shalt  }

// kernel: kernel.14.cloned.1.call-start
scs
__scs_entry_jumppad:
0x0: {  	(pc) =	sbr.rel $0x88, $3  }
0x1: {  	(tag) =	ssettag $0x0;
	lr =	simm.s32 $0x1  }
0x2: {  	[smem:$0x3F99] =	sst lr;
	_ =	strace $0xD0000000  }
0x3: {  	_ = 	snop  }
0x4: {  	_ = 	snop  }
0x5: {  	_ = 	snop  }
0x6: {  	_ = 	snop  }
0x7: {  	_ = 	snop  }
__scs_overlays_trampoline_lowered:
0x8: {  	[smem:$0x3FA8] =	sst s0  }
0x9: {  	[smem:$0x3FA9] =	sst s1  }
0xa: {  	[smem:$0x3FAA] =	sst s2  }
0xb: {  	[smem:$0x3FAB] =	sst s3  }
0xc: {  	[smem:$0x3FAC] =	sst s4  }
0xd: {  	[smem:$0x3FAD] =	sst s5  }
0xe: {  	[smem:$0x3FAE] =	sst s6  }
0xf: {  	[smem:$0x3FAF] =	sst s7  }
0x10: {  	[smem:$0x3FB0] =	sst s8  }
0x11: {  	[smem:$0x3FB1] =	sst s9;
	s0 =	simm.s32 @!p0 $0x0  }
0x12: {  	s1 =	sld [smem:$0x3F97];
	s0 =	simm.s32 @p0 $0x1  }
0x13: {  	[smem:$0x3FB2] =	sst s0;
	s0 =	simm.s32 @!p1 $0x0  }
0x14: {  	s2 =	sld [smem:$0x3F96];
	s0 =	simm.s32 @p1 $0x1  }
0x15: {  	[smem:$0x3FB3] =	sst s0;
	s0 =	simm.s32 @!p2 $0x0  }
0x16: {  	s3 =	sld [smem:$0x3FDB];
	s0 =	simm.s32 @p2 $0x1  }
0x17: {  	s4 =	simm.s32 $0x1BF5;
	[smem:$0x3FB5] =	sst s0  }
0x18: {  	s0 =	sld [smem:$0x3F98];
	_ =	swait.ge [sflag:s4], $0x0  }
0x19: {  	s7 =	sld [smem:$0x3F99]  }
0x1a: {  	s8 =	sadd.s32 $0xFFFFE003, lr  }
0x1b: {  	s9 =	sadd.s32 $0xFFFFFEF7, lr;
	s5 =	simm.s32 $0xFFFFFFFF;
	p2 =	slt.u32 s8, $0xFFFFF086  }
0x1c: {  	p1 =	slt.u32 s9, $0xF7A;
	s5 =	simm.s32 @!p2 $0x0  }
0x1d: {  	s5 =	simm.s32 @p1 $0x1;
	p0 =	seq.s32 s7, s2  }
0x1e: {  	s7 =	smul.u32 @!p0 $0xF7A, s2;
	p2 =	seq.s32 @!p0 s5, $0x0  }
0x1f: {  	s9 =	smul.u32 $0xF7A, s1;
	s8 =	simm.s32 @!p0 $0x1BF5;
	p2 =	por !p2, p0  }
0x20: {  	[sflag:s8] =	ssyncset.s32 @!p0 $0xFFFFF086;
	s6 =	sadd.s32 @!p0 s3, s7;
	s7 =	simm.s32 @!p0 $0x108  }
0x21: {  	s3 =	sadd.s32 s3, s9;
	s6 =	sadd.s32 @!p0 $0x88, s6;
	s7 =	simm.s32 @p2 $0x1082  }
0x22: {  	[simem:s7], [sflag:s8] =	dma.local @!p0 [hbm:s6], $0xF7A  }
0x23: {  	s9 =	sor.u32 $0xD0000000, s2;
	s6 =	simm.s32 $0x108;
	_ =	swait.ge @!p0 [sflag:s8], $0x0  }
0x24: {  	s3 =	sadd.s32 $0x88, s3;
	s6 =	simm.s32 @!p1 $0x1082;
	[sflag:s4] =	ssyncset.s32 $0xFFFFF086  }
0x25: {  	[simem:s6], [sflag:s4] =	dma.local [hbm:s3], $0xF7A  }
0x26: {  	[smem:$0x3F99] =	sst s1;
	(tag) =	ssettag s2;
	_ =	strace s9  }
0x27: {  	s1 =	sld [smem:$0x3FA9]  }
0x28: {  	s2 =	sld [smem:$0x3FAA]  }
0x29: {  	s4 =	sld [smem:$0x3FAC]  }
0x2a: {  	p0 =	seq.s32 s5, $0x0;
	s5 =	sld [smem:$0x3FAD]  }
0x2b: {  	s6 =	sld [smem:$0x3FAE]  }
0x2c: {  	s7 =	sld [smem:$0x3FAF]  }
0x2d: {  	s3 =	simm.s32 $0x108;
	s8 =	sld [smem:$0x3FB0]  }
0x2e: {  	s3 =	simm.s32 @!p0 $0x1082;
	s9 =	sld [smem:$0x3FB1]  }
0x2f: {  	lr =	sadd.s32 s0, s3;
	s0 =	sld [smem:$0x3FA8]  }
0x30: {  	s3 =	sld [smem:$0x3FAB]  }
0x31: {  	[smem:$0x3FB4] =	sst s10  }
0x32: {  	s10 =	sld [smem:$0x3FB2];
	_ =	sdelay $0x3  }
0x33: {  	p0 =	seq.s32 s10, $0x1;
	s10 =	sld [smem:$0x3FB4];
	_ =	sdelay $0x3  }
0x34: {  	[smem:$0x3FB4] =	sst s10  }
0x35: {  	s10 =	sld [smem:$0x3FB3];
	_ =	sdelay $0x3  }
0x36: {  	p1 =	seq.s32 s10, $0x1;
	s10 =	sld [smem:$0x3FB4];
	_ =	sdelay $0x3  }
0x37: {  	[smem:$0x3FB4] =	sst s10  }
0x38: {  	s10 =	sld [smem:$0x3FB5]  }
0x39: {  	_ = 	snop;
	(pc) =	sbr.ind lr, $3  }
0x3a: {  	_ = 	snop  }
0x3b: {  	_ = 	snop  }
0x3c: {  	p2 =	seq.s32 s10, $0x1;
	s10 =	sld [smem:$0x3FB4]  }
0x3d: {  	_ =	shalt  }
0x3e: {  	_ =	shalt  }
0x3f: {  	_ =	shalt  }
0x40: {  	_ =	shalt  }
0x41: {  	_ =	shalt  }
0x42: {  	_ =	shalt  }
0x43: {  	_ =	shalt  }
0x44: {  	_ =	shalt  }
0x45: {  	_ =	shalt  }
0x46: {  	_ =	shalt  }
0x47: {  	_ =	shalt  }
0x48: {  	_ =	shalt  }
0x49: {  	_ =	shalt  }
0x4a: {  	_ =	shalt  }
0x4b: {  	_ =	shalt  }
0x4c: {  	_ =	shalt  }
0x4d: {  	_ =	shalt  }
0x4e: {  	_ =	shalt  }
0x4f: {  	_ =	shalt  }
0x50: {  	_ =	shalt  }
0x51: {  	_ =	shalt  }
0x52: {  	_ =	shalt  }
0x53: {  	_ =	shalt  }
0x54: {  	_ =	shalt  }
0x55: {  	_ =	shalt  }
0x56: {  	_ =	shalt  }
0x57: {  	_ =	shalt  }
0x58: {  	_ =	shalt  }
0x59: {  	_ =	shalt  }
0x5a: {  	_ =	shalt  }
0x5b: {  	_ =	shalt  }
0x5c: {  	_ =	shalt  }
0x5d: {  	_ =	shalt  }
0x5e: {  	_ =	shalt  }
0x5f: {  	_ =	shalt  }
0x60: {  	_ =	shalt  }
0x61: {  	_ =	shalt  }
0x62: {  	_ =	shalt  }
0x63: {  	_ =	shalt  }
0x64: {  	_ =	shalt  }
0x65: {  	_ =	shalt  }
0x66: {  	_ =	shalt  }
0x67: {  	_ =	shalt  }
0x68: {  	_ =	shalt  }
0x69: {  	_ =	shalt  }
0x6a: {  	_ =	shalt  }
0x6b: {  	_ =	shalt  }
0x6c: {  	_ =	shalt  }
0x6d: {  	_ =	shalt  }
0x6e: {  	_ =	shalt  }
0x6f: {  	_ =	shalt  }
0x70: {  	_ =	shalt  }
0x71: {  	_ =	shalt  }
0x72: {  	_ =	shalt  }
0x73: {  	_ =	shalt  }
0x74: {  	_ =	shalt  }
0x75: {  	_ =	shalt  }
0x76: {  	_ =	shalt  }
0x77: {  	_ =	shalt  }
0x78: {  	_ =	shalt  }
0x79: {  	_ =	shalt  }
0x7a: {  	_ =	shalt  }
0x7b: {  	_ =	shalt  }
0x7c: {  	_ =	shalt  }
0x7d: {  	_ =	shalt  }
0x7e: {  	_ =	shalt  }
0x7f: {  	_ =	shalt  }
0x80: {  	_ =	shalt  }
0x81: {  	_ =	shalt  }
0x82: {  	_ =	shalt  }
0x83: {  	_ =	shalt  }
0x84: {  	_ =	shalt  }
0x85: {  	_ =	shalt  }
0x86: {  	_ =	shalt  }
0x87: {  	_ =	shalt  }
.Lfunc_end0:
.L_simem_size_0:
called_computation.2_lowered:
.L_overlay_start_0:
0x88: {  	s2 =	sld [smem:$0x3FD9]  }
0x89: {  	s3 =	sld [smem:$0x3FFE];
	_ =	sdelay $0x1  }
0x8a: {  	s1 =	srdreg.scid  }
0x8b: {  	s0 =	sand.u32 $0x1, s1  }
0x8c: {  	s17 =	sshll.u32 s0, $0xA;
	s2 =	sadd.s32 s3, s2  }
0x8d: {  	s2 =	sadd.s32 s2, s17  }
0x8e: {  	[smem:$0x3FC0] =	sst s2  }
0x8f: {  	_ = 	snop  }
0x90: {  	s2 =	sld [smem:$0x3FD0];
	(tm) =	ssettm $0x1  }
0x91: {  	s18 =	sld [smem:$0x3FFB];
	_ =	sdelay $0x3  }
0x92: {  	_ =	strace s18  }
0x93: {  	s3 =	sld [smem:$0x3FFC];
	_ =	sdelay $0x3  }
0x94: {  	_ =	strace s3  }
0x95: {  	s3 =	sld [smem:$0x3FFD];
	_ =	sdelay $0x3  }
0x96: {  	_ =	strace s3  }
0x97: {  	_ =	strace $0x8FFFFFFF  }
0x98: {  	s19 =	sld [smem:$0x3FDB];
	_ =	sdelay $0x1  }
0x99: {  	s4 =	simm.s32 $_scs_section_size  }
0x9a: {  	s5 =	simm.s32 $_size__tile_overlayer_lowered;
	s6 =	simm.s32 $_tile_overlayer_lowered  }
0x9b: {  	s22 =	simm.s32 $0x1BFF;
	s21 =	sshll.u32 s6, $0x1;
	s3 =	sadd.s32 s4, s19  }
0x9c: {  	s7 =	simm.s32 $0x0;
	s20 =	sshll.u32 s5, $0x1;
	s5 =	sadd.s32 s21, s3  }
0x9d: {  	[timem:s7], [sflag:s22] =	dma.local [hbm:s5], s20  }
0x9e: {  	_ =	swait.ge [sflag:s22], s20  }
0x9f: {  	s4 =	ssub.s32 $0x0, s20;
	[sflag:s22] =	ssyncset.done $0x0  }
0xa0: {  	[sflag:s22] =	ssyncadd.s32 s4;
	_ =	sdelay $0x1  }
0xa1: {  	s23 =	simm.s32 $0x1B8B  }
0xa2: {  	_ =	swait.ge [sflag:s23], $0x1  }
0xa3: {  	[sflag:s23] =	ssyncset.done $0x0  }
0xa4: {  	s25 =	simm.s32 $0x1B8E;
	s24 =	sld [smem:$0x3FFE];
	[sflag:s23] =	ssyncadd.s32 $0xFFFFFFFF  }
0xa5: {  	s26 =	simm.s32 $execute0_lowered;
	[smem:$0x3FD2] =	sst s25  }
0xa6: {  	s5 =	sshll.u32 s26, $0x1;
	_ =	strace $0x8000004C;
	[dreg:$0x1] =	wrdreg $0xFFFFFFFF  }
0xa7: {  	s28 =	simm.s32 $_size_execute0_lowered;
	s3 =	sadd.s32 s3, s5;
	[dreg:$0x0] =	wrdreg $0x0  }
0xa8: {  	s5 =	sshll.u32 s28, $0x1;
	[dreg:$0x2] =	wrdreg s3  }
0xa9: {  	[dreg:$0x3] =	wrdreg s5  }
0xaa: {  	[dreg:$0x4] =	wrdreg $0xC0  }
0xab: {  	_ =	task [dreg:s7], $0x5FFFF  }
0xac: {  	[dreg:$0x1] =	wrdreg $0xFFFFFFFF  }
0xad: {  	[dreg:$0x0] =	wrdreg $0x60  }
0xae: {  	[dreg:$0x2] =	wrdreg s24  }
0xaf: {  	[dreg:$0x3] =	wrdreg s2  }
0xb0: {  	[dreg:$0x4] =	wrdreg $0xC6200  }
0xb1: {  	[dreg:$0x5] =	wrdreg $0x9  }
0xb2: {  	_ =	task.clear_ibuf [dreg:s7], $0x6FFFF;
	_ =	strace $0x9000004C  }
0xb3: {  	s29 =	simm.s32 $0x9;
	_ =	strace $0x8000004E  }
0xb4: {  	_ =	swait.ge [sflag:s29], $0x1  }
0xb5: {  	[sflag:s29] =	ssyncadd.s32 $0xFFFFFFFF  }
0xb6: {  	_ =	strace $0x9000004E  }
0xb7: {  	_ =	sfence  }
0xb8: {  	s30 =	sld [smem:$0x0];
	_ =	sdelay $0x2  }
0xb9: {  	s31 =	sshll.u32 s1, $0xD;
	s1 =	sshrl.u32 s1, $0x2  }
0xba: {  	s3 =	sand.u32 $0x4000, s31;
	s1 =	sadd.s32 s1, s30  }
0xbb: {  	s0 =	sor.u32 s3, s0;
	s1 =	sshll.u32 s1, $0x11  }
0xbc: {  	s0 =	sor.u32 s1, s0  }
0xbd: {  	s0 =	sadd.s32 $0x8F2B, s0  }
0xbe: {  	[sflag:s0] =	ssyncadd.remote.s32 $0x1  }
0xbf: {  	_ =	sfence.sel $0xFFFF  }
0xc0: {  	[dreg:$0x0] =	wrdreg $0xFFFFFFFF;
	(pc) =	sbr.abs _section_cstart, $3  }
0xc1: {  	[dreg:$0x1] =	wrdreg $0xFFFFFFFF  }
0xc2: {  	_ =	task.clear_ibuf [dreg:s7], $0x2FFFF;
	_ =	strace $0x9FFFFFFF  }
0xc3: {  	(tm) =	ssettm $0x7FFFFFFF  }
tec
execute0_lowered:
.L_overlay_start_1:
0x0: {  	(tag) =	ssettag $0x1  }
0x1: {  	s0 =	srdreg.scid  }
0x2: {  	s13 =	stileid.u32;
	s1 =	rddreg [dreg:$0x0]  }
0x3: {  	s3 =	rddreg [dreg:$0x2];
	s4 =	simm.s32 $0x0;
	s12 =	simm.s32 $0x4  }
0x4: {  	s18 =	simm.s32 $0x50;
	s19 =	simm.s32 $0x4E20;
	s20 =	simm.s32 $0x7620  }
0x5: {  	s22 =	simm.s32 $0x9E20;
	s23 =	simm.s32 $0x1;
	s24 =	simm.s32 $0x2  }
0x6: {  	s28 =	simm.s32 $0x2670;
	s29 =	simm.s32 $0x4CE0;
	s30 =	simm.s32 $0x26C0  }
0x7: {  	s31 =	simm.s32 $0x4D30;
	s0 =	sand.u32 $0x1, s0;
	s8 =	smul.u32 $0x13880, s13  }
0x8: {  	s2 =	sshll.u32 s13, $0x1;
	[smem:$0x7FF] =	sst s4;
	s10 =	smul.u32 $0x4E200, s13  }
0x9: {  	s5 =	sadd.s32 $0x16000, s1;
	s2 =	sor.u32 s0, s2;
	s6 =	smul.u32 $0x138800, s0  }
0xa: {  	_ =	strace $0x8000004D;
	s7 =	ssub.s32 $0x2, s0;
	p0 =	sne.s32 s0, $0x0  }
0xb: {  	s2 =	smul.u32 $0x2710, s2;
	s9 =	sshrl.u32 s7, $0x1;
	s25 =	sshrl.u32 s10, $0x2  }
0xc: {  	s26 =	sshrl.u32 s8, $0x3;
	s0 =	sshll.u32 @p0 s13, $0x6;
	s6 =	sadd.s32 s8, s6  }
0xd: {  	s11 =	ssub.s32 s7, s9;
	s8 =	sadd.s32 s8, s3;
	s9 =	sadd.s32 s5, s26  }
0xe: {  	s14 =	sor.u32 @p0 $0x1C04, s0;
	s0 =	sshll.u32 @!p0 s13, $0x6;
	s2 =	sshrl.u32 s2, $0x3  }
0xf: {  	s6 =	sshrl.u32 s6, $0x3;
	s11 =	smax.u32 s11, $0x1;
	s16 =	sor.u32 @!p0 $0x1C04, s0  }
0x10: {  	s17 =	sshrl.u32 @!p0 s8, $0x3;
	s0 =	simm.s32 $0x0;
	s2 =	sadd.s32 s2, s1  }
0x11: {  	s1 =	sadd.s32 s6, s1;
	s6 =	sadd.s32 $0x2600, s2;
	s7 =	sadd.s32 $0xC240, s2  }
0x12: {  	s2 =	sadd.s32 s25, s3;
	s10 =	sadd.s32 $0x3D200, s1;
	s25 =	simm.s32 $0x3  }
0x13: {  	s1 =	simm.s32 $0x4D80;
	s15 =	sshrl.u32 @p0 s2, $0x3;
	s2 =	simm.s32 $0x4DD0  }
.LBB2_1:
0x14: {  	[tilespmem:s4], [sflag:$0x4] =	stream.linear.gather [hbm4b:s6+s4], $0x2710, $0x38;
	[tilespmem:$0x1FEA0] =	vst v63  }
0x15: {  	_ =	swait.ge [sflag:s12], $0x2710  }
0x16: {  	[sflag:s12] =	ssyncset.done $0x0  }
0x17: {  	s13 =	simm.s32 $0x2710;
	[sflag:s12] =	ssyncadd.s32 $0xFFFFD8F0  }
0x18: {  	[tilespmem:s13], [sflag:$0x4] =	stream.linear.gather [hbm4b:s7+s4], $0x2710, $0x38;
	[tilespmem:$0x1FEA0] =	vst v63  }
0x19: {  	_ =	swait.ge [sflag:s12], $0x2710  }
0x1a: {  	[sflag:s12] =	ssyncset.done $0x0  }
0x1b: {  	[sflag:s12] =	ssyncadd.s32 $0xFFFFD8F0  }
0x1c: {  	s13 =	rddreg [dreg:$0x1]  }
0x1d: {  	[spmem:s15], [sflag:s14] =	dma.local @p0 [hbm:s13], $0x2710  }
0x1e: {  	[spmem:s17], [sflag:s16] =	dma.local @!p0 [hbm:s9], $0x2710  }
0x1f: {  	_ =	swait.ge [sflag:s12], $0x2710  }
0x20: {  	[sflag:s12] =	ssyncset.done $0x0  }
0x21: {  	[sflag:s12] =	ssyncadd.s32 $0xFFFFD8F0  }
0x22: {  	[bflag:$0x0] =	sbarrier.arrive $0xFFFF  }
0x23: {  	[tilespmem:s19], [sflag:$0x1] =	stream.indirect.gather [hbm4b:s5+s18], $0x80, s4, s18, $0xb8;
	[tilespmem:$0x1FEA0] =	vst v63  }
0x24: {  	_ = 	snop  }
0x25: {  	[tilespmem:s20], [sflag:$0x2] =	stream.indirect.gather [hbm4b:s5+s18], $0x80, s18, s18, $0xb8;
	[tilespmem:$0x1FEA0] =	vst v63  }
0x26: {  	s21 =	simm.s32 $0xA0  }
0x27: {  	[tilespmem:s22], [sflag:$0x3] =	stream.indirect.gather [hbm4b:s5+s18], $0x80, s21, s18, $0xb8;
	[tilespmem:$0x1FEA0] =	vst v63  }
0x28: {  	_ =	swait.ge [sflag:s23], $0x2800  }
0x29: {  	[sflag:s23] =	ssyncset.done $0x0  }
0x2a: {  	s26 =	simm.s32 $0x2710;
	[sflag:s23] =	ssyncadd.s32 $0xFFFFD800  }
0x2b: {  	[spmem:s3] =	stream.indirect.scatter.add.f32 [tilespmem:s19], [sflag:$0x4], $0x80, s26, s18, $0xb8;
	[tilespmem:$0x1FEA0] =	vst v63  }
0x2c: {  	_ =	swait.ge [sflag:s12], $0x2800  }
0x2d: {  	[sflag:s12] =	ssyncset.done $0x0  }
0x2e: {  	s21 =	simm.s32 $0xF0;
	[sflag:s12] =	ssyncadd.s32 $0xFFFFD800  }
0x2f: {  	[tilespmem:s19], [sflag:$0x1] =	stream.indirect.gather [hbm4b:s5+s18], $0x80, s21, s18, $0xb8;
	[tilespmem:$0x1FEA0] =	vst v63  }
0x30: {  	_ =	swait.ge [sflag:s24], $0x2800  }
0x31: {  	[sflag:s24] =	ssyncset.done $0x0  }
0x32: {  	s26 =	simm.s32 $0x2760;
	[sflag:s24] =	ssyncadd.s32 $0xFFFFD800  }
0x33: {  	[spmem:s3] =	stream.indirect.scatter.add.f32 [tilespmem:s20], [sflag:$0x4], $0x80, s26, s18, $0xb8;
	[tilespmem:$0x1FEA0] =	vst v63  }
0x34: {  	_ =	swait.ge [sflag:s12], $0x2800  }
0x35: {  	[sflag:s12] =	ssyncset.done $0x0  }
0x36: {  	s21 =	simm.s32 $0x140;
	[sflag:s12] =	ssyncadd.s32 $0xFFFFD800  }
0x37: {  	[tilespmem:s20], [sflag:$0x2] =	stream.indirect.gather [hbm4b:s5+s18], $0x80, s21, s18, $0xb8;
	[tilespmem:$0x1FEA0] =	vst v63  }
0x38: {  	_ =	swait.ge [sflag:s25], $0x2800  }
0x39: {  	[sflag:s25] =	ssyncset.done $0x0  }
0x3a: {  	s26 =	simm.s32 $0x27B0;
	[sflag:s25] =	ssyncadd.s32 $0xFFFFD800  }
0x3b: {  	[spmem:s3] =	stream.indirect.scatter.add.f32 [tilespmem:s22], [sflag:$0x4], $0x80, s26, s18, $0xb8;
	[tilespmem:$0x1FEA0] =	vst v63  }
0x3c: {  	_ =	swait.ge [sflag:s12], $0x2800  }
0x3d: {  	[sflag:s12] =	ssyncset.done $0x0  }
0x3e: {  	s13 =	simm.s32 $0x3C0;
	s21 =	simm.s32 $0x190;
	[sflag:s12] =	ssyncadd.s32 $0xFFFFD800  }
.LBB2_2:
0x3f: {  	[tilespmem:s22], [sflag:$0x3] =	stream.indirect.gather [hbm4b:s5+s18], $0x80, s21, s18, $0xb8;
	[tilespmem:$0x1FEA0] =	vst v63  }
0x40: {  	s21 =	smov.u32 s13  }
0x41: {  	p1 =	sne.s32 s13, $0x9240;
	s13 =	sadd.s32 $0x3C0, s13;
	_ =	swait.ge [sflag:s23], $0x2800  }
0x42: {  	s21 =	sshra.s32 s21, $0x2;
	[sflag:s23] =	ssyncset.done $0x0  }
0x43: {  	s26 =	sadd.s32 $0x2710, s21;
	[sflag:s23] =	ssyncadd.s32 $0xFFFFD800  }
0x44: {  	[spmem:s3] =	stream.indirect.scatter.add.f32 [tilespmem:s19], [sflag:$0x4], $0x80, s26, s18, $0xb8;
	[tilespmem:$0x1FEA0] =	vst v63  }
0x45: {  	_ =	swait.ge [sflag:s12], $0x2800  }
0x46: {  	[sflag:s12] =	ssyncset.done $0x0  }
0x47: {  	s26 =	sadd.s32 $0xF0, s21;
	[sflag:s12] =	ssyncadd.s32 $0xFFFFD800  }
0x48: {  	[tilespmem:s19], [sflag:$0x1] =	stream.indirect.gather [hbm4b:s5+s18], $0x80, s26, s18, $0xb8;
	[tilespmem:$0x1FEA0] =	vst v63  }
0x49: {  	_ =	swait.ge [sflag:s24], $0x2800  }
0x4a: {  	[sflag:s24] =	ssyncset.done $0x0  }
0x4b: {  	s26 =	sadd.s32 $0x2760, s21;
	[sflag:s24] =	ssyncadd.s32 $0xFFFFD800  }
0x4c: {  	[spmem:s3] =	stream.indirect.scatter.add.f32 [tilespmem:s20], [sflag:$0x4], $0x80, s26, s18, $0xb8;
	[tilespmem:$0x1FEA0] =	vst v63  }
0x4d: {  	_ =	swait.ge [sflag:s12], $0x2800  }
0x4e: {  	[sflag:s12] =	ssyncset.done $0x0  }
0x4f: {  	s26 =	sadd.s32 $0x140, s21;
	[sflag:s12] =	ssyncadd.s32 $0xFFFFD800  }
0x50: {  	[tilespmem:s20], [sflag:$0x2] =	stream.indirect.gather [hbm4b:s5+s18], $0x80, s26, s18, $0xb8;
	[tilespmem:$0x1FEA0] =	vst v63  }
0x51: {  	_ =	swait.ge [sflag:s25], $0x2800  }
0x52: {  	[sflag:s25] =	ssyncset.done $0x0  }
.Ltmp0:
0x53: {  	s26 =	sadd.s32 $0x27B0, s21;
	[sflag:s25] =	ssyncadd.s32 $0xFFFFD800;
	(pc) =	sbr.rel @p1 .LBB2_2-.Ltmp0, $4  }
0x54: {  	[spmem:s3] =	stream.indirect.scatter.add.f32 [tilespmem:s22], [sflag:$0x4], $0x80, s26, s18, $0xb8;
	[tilespmem:$0x1FEA0] =	vst v63  }
0x55: {  	_ =	swait.ge [sflag:s12], $0x2800  }
0x56: {  	[sflag:s12] =	ssyncset.done $0x0  }
0x57: {  	s21 =	sadd.s32 $0x190, s21;
	[sflag:s12] =	ssyncadd.s32 $0xFFFFD800  }
0x58: {  	[tilespmem:s22], [sflag:$0x3] =	stream.indirect.gather [hbm4b:s5+s18], $0x80, s21, s18, $0xb8;
	[tilespmem:$0x1FEA0] =	vst v63  }
0x59: {  	_ =	swait.ge [sflag:s23], $0x2800  }
0x5a: {  	[sflag:s23] =	ssyncset.done $0x0  }
0x5b: {  	s13 =	simm.s32 $0x4C90;
	[sflag:s23] =	ssyncadd.s32 $0xFFFFD800  }
0x5c: {  	[spmem:s3] =	stream.indirect.scatter.add.f32 [tilespmem:s19], [sflag:$0x4], $0x80, s13, s18, $0xb8;
	[tilespmem:$0x1FEA0] =	vst v63  }
0x5d: {  	_ =	swait.ge [sflag:s12], $0x2800  }
0x5e: {  	[sflag:s12] =	ssyncset.done $0x0  }
0x5f: {  	[sflag:s12] =	ssyncadd.s32 $0xFFFFD800  }
0x60: {  	[tilespmem:s19], [sflag:$0x1] =	stream.indirect.gather [hbm4b:s5+s18], $0x80, s28, s18, $0xb8;
	[tilespmem:$0x1FEA0] =	vst v63  }
0x61: {  	_ =	swait.ge [sflag:s24], $0x2800  }
0x62: {  	[sflag:s24] =	ssyncset.done $0x0  }
0x63: {  	[sflag:s24] =	ssyncadd.s32 $0xFFFFD800  }
0x64: {  	[spmem:s3] =	stream.indirect.scatter.add.f32 [tilespmem:s20], [sflag:$0x4], $0x80, s29, s18, $0xb8;
	[tilespmem:$0x1FEA0] =	vst v63  }
0x65: {  	_ =	swait.ge [sflag:s12], $0x2800  }
0x66: {  	[sflag:s12] =	ssyncset.done $0x0  }
0x67: {  	[sflag:s12] =	ssyncadd.s32 $0xFFFFD800  }
0x68: {  	[tilespmem:s20], [sflag:$0x2] =	stream.indirect.gather [hbm4b:s5+s18], $0x80, s30, s18, $0xb8;
	[tilespmem:$0x1FEA0] =	vst v63  }
0x69: {  	_ =	swait.ge [sflag:s25], $0x2800  }
0x6a: {  	[sflag:s25] =	ssyncset.done $0x0  }
0x6b: {  	[sflag:s25] =	ssyncadd.s32 $0xFFFFD800  }
0x6c: {  	[spmem:s3] =	stream.indirect.scatter.add.f32 [tilespmem:s22], [sflag:$0x4], $0x80, s31, s18, $0xb8;
	[tilespmem:$0x1FEA0] =	vst v63  }
0x6d: {  	_ =	swait.ge [sflag:s12], $0x2800  }
0x6e: {  	[sflag:s12] =	ssyncset.done $0x0  }
0x6f: {  	[sflag:s12] =	ssyncadd.s32 $0xFFFFD800  }
0x70: {  	_ =	swait.ge [sflag:s23], $0x2800  }
0x71: {  	[sflag:s23] =	ssyncset.done $0x0  }
0x72: {  	[sflag:s23] =	ssyncadd.s32 $0xFFFFD800  }
0x73: {  	[spmem:s3] =	stream.indirect.scatter.add.f32 [tilespmem:s19], [sflag:$0x4], $0x80, s1, s18, $0xb8;
	[tilespmem:$0x1FEA0] =	vst v63  }
0x74: {  	_ =	swait.ge [sflag:s12], $0x2800  }
0x75: {  	[sflag:s12] =	ssyncset.done $0x0  }
0x76: {  	[sflag:s12] =	ssyncadd.s32 $0xFFFFD800  }
0x77: {  	_ =	swait.ge [sflag:s24], $0x2800  }
0x78: {  	[sflag:s24] =	ssyncset.done $0x0  }
0x79: {  	[sflag:s24] =	ssyncadd.s32 $0xFFFFD800  }
0x7a: {  	[spmem:s3] =	stream.indirect.scatter.add.f32 [tilespmem:s20], [sflag:$0x4], $0x80, s2, s18, $0xb8;
	[tilespmem:$0x1FEA0] =	vst v63  }
0x7b: {  	s21 =	stileid.u32;
	_ =	swait.ge [sflag:s12], $0x2800  }
0x7c: {  	s26 =	sshrl.u32 s8, $0x3;
	s0 =	sadd.s32 $0x1, s0;
	[sflag:s12] =	ssyncset.done $0x0  }
0x7d: {  	p1 =	sne.s32 s0, s11;
	s13 =	sshll.u32 s21, $0x6;
	[sflag:s12] =	ssyncadd.s32 $0xFFFFD800  }
.Ltmp1:
0x7e: {  	s13 =	sor.u32 $0x1C04, s13;
	[bflag:$0x0] =	sbarrier.arrive $0xFFFF;
	(pc) =	sbr.rel @p1 .LBB2_1-.Ltmp1, $4  }
0x7f: {  	[hbm:s10], [sflag:s13] =	dma.local [spmem:s26], $0x2710  }
0x80: {  	_ =	swait.ge [sflag:s12], $0x2710  }
0x81: {  	[sflag:s12] =	ssyncset.done $0x0  }
0x82: {  	[sflag:s12] =	ssyncadd.s32 $0xFFFFD8F0  }
0x83: {  	_ =	sfence.sel $0x180000  }
0x84: {  	[bflag:$0x0] =	sbarrier.arrive $0xFFFF  }
0x85: {  	_ =	strace $0x9000004D  }
0x86: {  	s0 =	stileid.u32;
	[bflag:$0x2] =	sbarrier.arrive $0xFFFF  }
0x87: {  	p0 =	sne.s32 s0, $0x0;
	s0 =	rddreg [dreg:$0x3]  }
0x88: {  	s0 =	sadd.s32 @!p0 $0x100000, s0  }
0x89: {  	[sflag:s0] =	ssyncadd.tile.s32 @!p0 $0x1;
	_ =	shalt  }
.Lfunc_end2:
_tile_overlayer_lowered:
.L_overlay_start_2:
0x8a: {  	(tag) =	ssettag $0x2  }
0x8b: {  	s0 =	rddreg [dreg:$0x0];
	s2 =	stileid.u32  }
0x8c: {  	s1 =	rddreg [dreg:$0x1];
	p0 =	sne.s32 s2, $0x0  }
0x8d: {  	s3 =	rddreg [dreg:$0x2];
	[bflag:$0x3] =	sbarrier.arrive $0xFFFF;
	s2 =	simm.s32 @!p0 $0x1C04  }
0x8e: {  	[timem:s3], [sflag:s2] =	dma.local @!p0 [hbm:s0], s1  }
0x8f: {  	s0 =	simm.s32 @!p0 $0x4  }
0x90: {  	_ =	swait.ge @!p0 [sflag:s0], s1  }
0x91: {  	s1 =	ssub.s32 @!p0 $0x0, s1;
	[sflag:s0] =	ssyncset.done @!p0 $0x0  }
0x92: {  	[sflag:s0] =	ssyncadd.s32 @!p0 s1  }
0x93: {  	[bflag:$0x3] =	sbarrier.arrive $0xFFFF  }
0x94: {  	_ =	shalt  }

// kernel: kernel.8.cloned.1.call-start
scs
__scs_entry_jumppad:
0x0: {  	(pc) =	sbr.rel $0x88, $3  }
0x1: {  	(tag) =	ssettag $0x0;
	lr =	simm.s32 $0x1  }
0x2: {  	[smem:$0x3F99] =	sst lr;
	_ =	strace $0xD0000000  }
0x3: {  	_ = 	snop  }
0x4: {  	_ = 	snop  }
0x5: {  	_ = 	snop  }
0x6: {  	_ = 	snop  }
0x7: {  	_ = 	snop  }
__scs_overlays_trampoline_lowered:
0x8: {  	[smem:$0x3FA8] =	sst s0  }
0x9: {  	[smem:$0x3FA9] =	sst s1  }
0xa: {  	[smem:$0x3FAA] =	sst s2  }
0xb: {  	[smem:$0x3FAB] =	sst s3  }
0xc: {  	[smem:$0x3FAC] =	sst s4  }
0xd: {  	[smem:$0x3FAD] =	sst s5  }
0xe: {  	[smem:$0x3FAE] =	sst s6  }
0xf: {  	[smem:$0x3FAF] =	sst s7  }
0x10: {  	[smem:$0x3FB0] =	sst s8  }
0x11: {  	[smem:$0x3FB1] =	sst s9;
	s0 =	simm.s32 @!p0 $0x0  }
0x12: {  	s1 =	sld [smem:$0x3F97];
	s0 =	simm.s32 @p0 $0x1  }
0x13: {  	[smem:$0x3FB2] =	sst s0;
	s0 =	simm.s32 @!p1 $0x0  }
0x14: {  	s2 =	sld [smem:$0x3F96];
	s0 =	simm.s32 @p1 $0x1  }
0x15: {  	[smem:$0x3FB3] =	sst s0;
	s0 =	simm.s32 @!p2 $0x0  }
0x16: {  	s3 =	sld [smem:$0x3FDB];
	s0 =	simm.s32 @p2 $0x1  }
0x17: {  	s4 =	simm.s32 $0x1BF5;
	[smem:$0x3FB5] =	sst s0  }
0x18: {  	s0 =	sld [smem:$0x3F98];
	_ =	swait.ge [sflag:s4], $0x0  }
0x19: {  	s7 =	sld [smem:$0x3F99]  }
0x1a: {  	s8 =	sadd.s32 $0xFFFFE003, lr  }
0x1b: {  	s9 =	sadd.s32 $0xFFFFFEF7, lr;
	s5 =	simm.s32 $0xFFFFFFFF;
	p2 =	slt.u32 s8, $0xFFFFF086  }
0x1c: {  	p1 =	slt.u32 s9, $0xF7A;
	s5 =	simm.s32 @!p2 $0x0  }
0x1d: {  	s5 =	simm.s32 @p1 $0x1;
	p0 =	seq.s32 s7, s2  }
0x1e: {  	s7 =	smul.u32 @!p0 $0xF7A, s2;
	p2 =	seq.s32 @!p0 s5, $0x0  }
0x1f: {  	s9 =	smul.u32 $0xF7A, s1;
	s8 =	simm.s32 @!p0 $0x1BF5;
	p2 =	por !p2, p0  }
0x20: {  	[sflag:s8] =	ssyncset.s32 @!p0 $0xFFFFF086;
	s6 =	sadd.s32 @!p0 s3, s7;
	s7 =	simm.s32 @!p0 $0x108  }
0x21: {  	s3 =	sadd.s32 s3, s9;
	s6 =	sadd.s32 @!p0 $0x88, s6;
	s7 =	simm.s32 @p2 $0x1082  }
0x22: {  	[simem:s7], [sflag:s8] =	dma.local @!p0 [hbm:s6], $0xF7A  }
0x23: {  	s9 =	sor.u32 $0xD0000000, s2;
	s6 =	simm.s32 $0x108;
	_ =	swait.ge @!p0 [sflag:s8], $0x0  }
0x24: {  	s3 =	sadd.s32 $0x88, s3;
	s6 =	simm.s32 @!p1 $0x1082;
	[sflag:s4] =	ssyncset.s32 $0xFFFFF086  }
0x25: {  	[simem:s6], [sflag:s4] =	dma.local [hbm:s3], $0xF7A  }
0x26: {  	[smem:$0x3F99] =	sst s1;
	(tag) =	ssettag s2;
	_ =	strace s9  }
0x27: {  	s1 =	sld [smem:$0x3FA9]  }
0x28: {  	s2 =	sld [smem:$0x3FAA]  }
0x29: {  	s4 =	sld [smem:$0x3FAC]  }
0x2a: {  	p0 =	seq.s32 s5, $0x0;
	s5 =	sld [smem:$0x3FAD]  }
0x2b: {  	s6 =	sld [smem:$0x3FAE]  }
0x2c: {  	s7 =	sld [smem:$0x3FAF]  }
0x2d: {  	s3 =	simm.s32 $0x108;
	s8 =	sld [smem:$0x3FB0]  }
0x2e: {  	s3 =	simm.s32 @!p0 $0x1082;
	s9 =	sld [smem:$0x3FB1]  }
0x2f: {  	lr =	sadd.s32 s0, s3;
	s0 =	sld [smem:$0x3FA8]  }
0x30: {  	s3 =	sld [smem:$0x3FAB]  }
0x31: {  	[smem:$0x3FB4] =	sst s10  }
0x32: {  	s10 =	sld [smem:$0x3FB2];
	_ =	sdelay $0x3  }
0x33: {  	p0 =	seq.s32 s10, $0x1;
	s10 =	sld [smem:$0x3FB4];
	_ =	sdelay $0x3  }
0x34: {  	[smem:$0x3FB4] =	sst s10  }
0x35: {  	s10 =	sld [smem:$0x3FB3];
	_ =	sdelay $0x3  }
0x36: {  	p1 =	seq.s32 s10, $0x1;
	s10 =	sld [smem:$0x3FB4];
	_ =	sdelay $0x3  }
0x37: {  	[smem:$0x3FB4] =	sst s10  }
0x38: {  	s10 =	sld [smem:$0x3FB5]  }
0x39: {  	_ = 	snop;
	(pc) =	sbr.ind lr, $3  }
0x3a: {  	_ = 	snop  }
0x3b: {  	_ = 	snop  }
0x3c: {  	p2 =	seq.s32 s10, $0x1;
	s10 =	sld [smem:$0x3FB4]  }
0x3d: {  	_ =	shalt  }
0x3e: {  	_ =	shalt  }
0x3f: {  	_ =	shalt  }
0x40: {  	_ =	shalt  }
0x41: {  	_ =	shalt  }
0x42: {  	_ =	shalt  }
0x43: {  	_ =	shalt  }
0x44: {  	_ =	shalt  }
0x45: {  	_ =	shalt  }
0x46: {  	_ =	shalt  }
0x47: {  	_ =	shalt  }
0x48: {  	_ =	shalt  }
0x49: {  	_ =	shalt  }
0x4a: {  	_ =	shalt  }
0x4b: {  	_ =	shalt  }
0x4c: {  	_ =	shalt  }
0x4d: {  	_ =	shalt  }
0x4e: {  	_ =	shalt  }
0x4f: {  	_ =	shalt  }
0x50: {  	_ =	shalt  }
0x51: {  	_ =	shalt  }
0x52: {  	_ =	shalt  }
0x53: {  	_ =	shalt  }
0x54: {  	_ =	shalt  }
0x55: {  	_ =	shalt  }
0x56: {  	_ =	shalt  }
0x57: {  	_ =	shalt  }
0x58: {  	_ =	shalt  }
0x59: {  	_ =	shalt  }
0x5a: {  	_ =	shalt  }
0x5b: {  	_ =	shalt  }
0x5c: {  	_ =	shalt  }
0x5d: {  	_ =	shalt  }
0x5e: {  	_ =	shalt  }
0x5f: {  	_ =	shalt  }
0x60: {  	_ =	shalt  }
0x61: {  	_ =	shalt  }
0x62: {  	_ =	shalt  }
0x63: {  	_ =	shalt  }
0x64: {  	_ =	shalt  }
0x65: {  	_ =	shalt  }
0x66: {  	_ =	shalt  }
0x67: {  	_ =	shalt  }
0x68: {  	_ =	shalt  }
0x69: {  	_ =	shalt  }
0x6a: {  	_ =	shalt  }
0x6b: {  	_ =	shalt  }
0x6c: {  	_ =	shalt  }
0x6d: {  	_ =	shalt  }
0x6e: {  	_ =	shalt  }
0x6f: {  	_ =	shalt  }
0x70: {  	_ =	shalt  }
0x71: {  	_ =	shalt  }
0x72: {  	_ =	shalt  }
0x73: {  	_ =	shalt  }
0x74: {  	_ =	shalt  }
0x75: {  	_ =	shalt  }
0x76: {  	_ =	shalt  }
0x77: {  	_ =	shalt  }
0x78: {  	_ =	shalt  }
0x79: {  	_ =	shalt  }
0x7a: {  	_ =	shalt  }
0x7b: {  	_ =	shalt  }
0x7c: {  	_ =	shalt  }
0x7d: {  	_ =	shalt  }
0x7e: {  	_ =	shalt  }
0x7f: {  	_ =	shalt  }
0x80: {  	_ =	shalt  }
0x81: {  	_ =	shalt  }
0x82: {  	_ =	shalt  }
0x83: {  	_ =	shalt  }
0x84: {  	_ =	shalt  }
0x85: {  	_ =	shalt  }
0x86: {  	_ =	shalt  }
0x87: {  	_ =	shalt  }
.Lfunc_end0:
.L_simem_size_0:
called_computation_lowered:
.L_overlay_start_0:
0x88: {  	s2 =	sld [smem:$0x3FD9]  }
0x89: {  	s3 =	sld [smem:$0x3FFE];
	_ =	sdelay $0x1  }
0x8a: {  	s1 =	srdreg.scid  }
0x8b: {  	s0 =	sand.u32 $0x1, s1  }
0x8c: {  	s17 =	sshll.u32 s0, $0xA;
	s2 =	sadd.s32 s3, s2  }
0x8d: {  	s2 =	sadd.s32 s2, s17  }
0x8e: {  	[smem:$0x3FC0] =	sst s2  }
0x8f: {  	_ = 	snop  }
0x90: {  	s2 =	sld [smem:$0x3FD0];
	(tm) =	ssettm $0x1  }
0x91: {  	s18 =	sld [smem:$0x3FFB];
	_ =	sdelay $0x3  }
0x92: {  	_ =	strace s18  }
0x93: {  	s3 =	sld [smem:$0x3FFC];
	_ =	sdelay $0x3  }
0x94: {  	_ =	strace s3  }
0x95: {  	s3 =	sld [smem:$0x3FFD];
	_ =	sdelay $0x3  }
0x96: {  	_ =	strace s3  }
0x97: {  	_ =	strace $0x8FFFFFFF  }
0x98: {  	s19 =	sld [smem:$0x3FDB];
	_ =	sdelay $0x1  }
0x99: {  	s4 =	simm.s32 $_scs_section_size  }
0x9a: {  	s5 =	simm.s32 $_size__tile_overlayer_lowered;
	s6 =	simm.s32 $_tile_overlayer_lowered  }
0x9b: {  	s22 =	simm.s32 $0x1BFF;
	s21 =	sshll.u32 s6, $0x1;
	s3 =	sadd.s32 s4, s19  }
0x9c: {  	s7 =	simm.s32 $0x0;
	s20 =	sshll.u32 s5, $0x1;
	s5 =	sadd.s32 s21, s3  }
0x9d: {  	[timem:s7], [sflag:s22] =	dma.local [hbm:s5], s20  }
0x9e: {  	_ =	swait.ge [sflag:s22], s20  }
0x9f: {  	s4 =	ssub.s32 $0x0, s20;
	[sflag:s22] =	ssyncset.done $0x0  }
0xa0: {  	[sflag:s22] =	ssyncadd.s32 s4;
	_ =	sdelay $0x1  }
0xa1: {  	s23 =	simm.s32 $0x1B8B  }
0xa2: {  	_ =	swait.ge [sflag:s23], $0x1  }
0xa3: {  	[sflag:s23] =	ssyncset.done $0x0  }
0xa4: {  	s25 =	simm.s32 $0x1B8E;
	s24 =	sld [smem:$0x3FFE];
	[sflag:s23] =	ssyncadd.s32 $0xFFFFFFFF  }
0xa5: {  	s26 =	simm.s32 $execute0_lowered;
	[smem:$0x3FD2] =	sst s25  }
0xa6: {  	s5 =	sshll.u32 s26, $0x1;
	_ =	strace $0x80000046;
	[dreg:$0x1] =	wrdreg $0xFFFFFFFF  }
0xa7: {  	s28 =	simm.s32 $_size_execute0_lowered;
	s3 =	sadd.s32 s3, s5;
	[dreg:$0x0] =	wrdreg $0x0  }
0xa8: {  	s5 =	sshll.u32 s28, $0x1;
	[dreg:$0x2] =	wrdreg s3  }
0xa9: {  	[dreg:$0x3] =	wrdreg s5  }
0xaa: {  	[dreg:$0x4] =	wrdreg $0xC0  }
0xab: {  	_ =	task [dreg:s7], $0x5FFFF  }
0xac: {  	[dreg:$0x1] =	wrdreg $0xFFFFFFFF  }
0xad: {  	[dreg:$0x0] =	wrdreg $0x60  }
0xae: {  	[dreg:$0x2] =	wrdreg s24  }
0xaf: {  	[dreg:$0x3] =	wrdreg s2  }
0xb0: {  	[dreg:$0x4] =	wrdreg $0x2C100  }
0xb1: {  	[dreg:$0x5] =	wrdreg $0x9  }
0xb2: {  	_ =	task.clear_ibuf [dreg:s7], $0x6FFFF;
	_ =	strace $0x90000046  }
0xb3: {  	s29 =	simm.s32 $0x9;
	_ =	strace $0x80000048  }
0xb4: {  	_ =	swait.ge [sflag:s29], $0x1  }
0xb5: {  	[sflag:s29] =	ssyncadd.s32 $0xFFFFFFFF  }
0xb6: {  	_ =	strace $0x90000048  }
0xb7: {  	_ =	sfence  }
0xb8: {  	s30 =	sld [smem:$0x0];
	_ =	sdelay $0x2  }
0xb9: {  	s31 =	sshll.u32 s1, $0xD;
	s1 =	sshrl.u32 s1, $0x2  }
0xba: {  	s3 =	sand.u32 $0x4000, s31;
	s1 =	sadd.s32 s1, s30  }
0xbb: {  	s0 =	sor.u32 s3, s0;
	s1 =	sshll.u32 s1, $0x11  }
0xbc: {  	s0 =	sor.u32 s1, s0  }
0xbd: {  	s0 =	sadd.s32 $0x8F2B, s0  }
0xbe: {  	[sflag:s0] =	ssyncadd.remote.s32 $0x1  }
0xbf: {  	_ =	sfence.sel $0xFFFF  }
0xc0: {  	[dreg:$0x0] =	wrdreg $0xFFFFFFFF;
	(pc) =	sbr.abs _section_cstart, $3  }
0xc1: {  	[dreg:$0x1] =	wrdreg $0xFFFFFFFF  }
0xc2: {  	_ =	task.clear_ibuf [dreg:s7], $0x2FFFF;
	_ =	strace $0x9FFFFFFF  }
0xc3: {  	(tm) =	ssettm $0x7FFFFFFF  }
tec
execute0_lowered:
.L_overlay_start_1:
0x0: {  	(tag) =	ssettag $0x1  }
0x1: {  	s6 =	rddreg [dreg:$0x0]  }
0x2: {  	s1 =	rddreg [dreg:$0x1]  }
0x3: {  	s3 =	rddreg [dreg:$0x2]  }
0x4: {  	s0 =	srdreg.scid;
	s2 =	rddreg [dreg:$0x3];
	s4 =	simm.s32 $0x0  }
0x5: {  	s14 =	simm.s32 $0x1;
	s7 =	sand.u32 $0x1, s0;
	s0 =	stileid.u32  }
0x6: {  	s16 =	simm.s32 $0x0;
	[smem:$0x7FF] =	sst s4;
	s5 =	smul.u32 $0x27100, s7  }
0x7: {  	s8 =	smul.u32 $0x2710, s0;
	s9 =	sshll.u32 s0, $0x1;
	_ =	strace $0x80000047  }
0x8: {  	s11 =	ssub.s32 $0x2, s7;
	s12 =	smul.u32 $0x9C40, s0;
	p0 =	seq.s32 s7, $0x0  }
0x9: {  	s31 =	sshll.u32 s0, $0x6;
	s9 =	sor.u32 s7, s9;
	s13 =	sshrl.u32 s11, $0x1  }
0xa: {  	s10 =	sadd.s32 s8, s5;
	s9 =	smul.u32 $0x2710, s9;
	s5 =	sadd.s32 $0x16000, s6  }
0xb: {  	s29 =	ssub.s32 s11, s13;
	s30 =	sshrl.u32 s12, $0x2;
	s15 =	sadd.s32 s8, s3  }
0xc: {  	s12 =	simm.s32 $0x2710;
	s13 =	simm.s32 $0x50;
	s10 =	sshrl.u32 s10, $0x3  }
0xd: {  	s11 =	sadd.s32 s30, s3;
	s8 =	smax.u32 s29, $0x1;
	s5 =	smov.u32 @p0 s1  }
0xe: {  	s15 =	sshrl.u32 s15, $0x3;
	s9 =	sshrl.u32 s9, $0x3;
	s10 =	sadd.s32 s10, s6  }
0xf: {  	s11 =	sshrl.u32 s11, $0x3;
	s6 =	sadd.s32 s6, s9;
	s7 =	sadd.s32 $0x16600, s10  }
0x10: {  	s9 =	simm.s32 $0x2;
	s10 =	sor.u32 $0x1C02, s31;
	s6 =	sadd.s32 $0xC240, s6  }
.LBB2_1:
0x11: {  	[tilespmem:s4], [sflag:$0x2] =	stream.linear.gather [hbm4b:s6+s4], $0x2710, $0x38;
	[tilespmem:$0x5320] =	vst v63  }
0x12: {  	_ =	swait.ge [sflag:s9], $0x2710  }
0x13: {  	[sflag:s9] =	ssyncset.done $0x0  }
0x14: {  	[sflag:s9] =	ssyncadd.s32 $0xFFFFD8F0  }
0x15: {  	[spmem:s11], [sflag:s10] =	dma.local [hbm:s5], $0x4E2  }
0x16: {  	_ =	swait.ge [sflag:s9], $0x4E2  }
0x17: {  	[sflag:s9] =	ssyncset.done $0x0  }
0x18: {  	[sflag:s9] =	ssyncadd.s32 $0xFFFFFB1E  }
0x19: {  	[tilespmem:s12], [sflag:$0x2] =	stream.linear.gather [hbm4b:s1+s4], $0x500, $0x38;
	[tilespmem:$0x5320] =	vst v63  }
0x1a: {  	_ =	swait.ge [sflag:s9], $0x500  }
0x1b: {  	[sflag:s9] =	ssyncset.done $0x0  }
0x1c: {  	[sflag:s9] =	ssyncadd.s32 $0xFFFFFB00  }
0x1d: {  	s17 =	simm.s32 $0x0;
	[bflag:$0x0] =	sbarrier.arrive $0xFFFF  }
.LBB2_2:
0x1e: {  	p0 =	sne.s32 s17, $0x9B00  }
.Ltmp0:
0x1f: {  	_ = 	snop;
	(pc) =	sbr.rel @p0 .LBB2_2-.Ltmp0, $3  }
0x20: {  	_ =	sdelay $0x1  }
0x21: {  	s18 =	sshra.s32 s17, $0x2;
	s17 =	sadd.s32 $0x140, s17  }
0x22: {  	[spmem:s3] =	stream.indirect.scatter.add.f32 [tilespmem:s12], [sflag:$0x1], $0x10, s18, s13, $0xb8;
	[tilespmem:$0x5320] =	vst v63  }
0x23: {  	_ =	swait.ge [sflag:s14], $0x500  }
0x24: {  	s17 =	simm.s32 $0x7C;
	[sflag:s14] =	ssyncset.done $0x0  }
.LBB2_4:
0x25: {  	p0 =	sne.s32 s17, $0x1;
	s17 =	sadd.s32 $0xFFFFFFFF, s17;
	[sflag:s14] =	ssyncadd.s32 $0xFFFFFB00  }
.Ltmp1:
0x26: {  	(pc) =	sbr.rel @p0 .LBB2_4-.Ltmp1, $3  }
0x27: {  	_ =	sdelay $0x1  }
0x28: {  	_ =	swait.ge [sflag:s14], $0x500  }
0x29: {  	[sflag:s14] =	ssyncset.done $0x0  }
0x2a: {  	s16 =	sadd.s32 $0x1, s16  }
0x2b: {  	[sflag:s14] =	ssyncadd.s32 $0xFFFFFB00;
	p0 =	sne.s32 s16, s8  }
.Ltmp2:
0x2c: {  	[bflag:$0x0] =	sbarrier.arrive $0xFFFF;
	(pc) =	sbr.rel @p0 .LBB2_1-.Ltmp2, $4  }
0x2d: {  	[hbm:s7], [sflag:s10] =	dma.local [spmem:s15], $0x4E2  }
0x2e: {  	_ =	swait.ge [sflag:s9], $0x4E2  }
0x2f: {  	[sflag:s9] =	ssyncset.done $0x0  }
0x30: {  	[sflag:s9] =	ssyncadd.s32 $0xFFFFFB1E  }
0x31: {  	_ =	sfence.sel $0x180000  }
0x32: {  	[bflag:$0x0] =	sbarrier.arrive $0xFFFF  }
0x33: {  	p0 =	sne.s32 s0, $0x0;
	_ =	strace $0x90000047  }
0x34: {  	s0 =	sadd.s32 @!p0 $0x100000, s2;
	[bflag:$0x2] =	sbarrier.arrive $0xFFFF  }
0x35: {  	[sflag:s0] =	ssyncadd.tile.s32 @!p0 $0x1;
	_ =	shalt  }
.Lfunc_end2:
_tile_overlayer_lowered:
.L_overlay_start_2:
0x36: {  	(tag) =	ssettag $0x2  }
0x37: {  	s0 =	rddreg [dreg:$0x0];
	s2 =	stileid.u32  }
0x38: {  	s1 =	rddreg [dreg:$0x1];
	p0 =	sne.s32 s2, $0x0  }
0x39: {  	s3 =	rddreg [dreg:$0x2];
	[bflag:$0x3] =	sbarrier.arrive $0xFFFF;
	s2 =	simm.s32 @!p0 $0x1C02  }
0x3a: {  	[timem:s3], [sflag:s2] =	dma.local @!p0 [hbm:s0], s1  }
0x3b: {  	s0 =	simm.s32 @!p0 $0x2  }
0x3c: {  	_ =	swait.ge @!p0 [sflag:s0], s1  }
0x3d: {  	s1 =	ssub.s32 @!p0 $0x0, s1;
	[sflag:s0] =	ssyncset.done @!p0 $0x0  }
0x3e: {  	[sflag:s0] =	ssyncadd.s32 @!p0 s1  }
0x3f: {  	[bflag:$0x3] =	sbarrier.arrive $0xFFFF  }
0x40: {  	_ =	shalt  }

</sc_bundles>
